<compile_context>
chip_gen: v7x
topology: tpu7x:2x2x1
jax: 0.10.2.dev20260603
libtpu: 0.0.44.dev20260713+nightly
codegen_flags: <defaults>
</compile_context>

<pallas_src>
import functools

import jax
import jax.numpy as jnp
from jax import lax
from jax.experimental import pallas as pl
from jax.experimental.pallas import tpu as pltpu
from jax.experimental.pallas import tpu_sc as plsc

_B, _S, _D, _F, _E, _K = 1, 2048, 768, 1536, 8, 2
_T = 256
_MAXB = _S // _T
_P = _K * _S
_NSLOT = 6144
_NW = 32
_RPW = _NSLOT // _NW
_HALF = _S // 2


def _k1_router(res_ref, rw_ref, dst_ref, wpair_ref, nblk_ref, bbase_ref,
               meta_ref, zrow_ref):
    x = res_ref[0]
    logits = jnp.dot(x.astype(jnp.bfloat16), rw_ref[...].T.astype(jnp.bfloat16),
                     preferred_element_type=jnp.float32)
    m = jnp.max(logits, axis=-1, keepdims=True)
    ex = jnp.exp(logits - m)
    probs = ex / jnp.sum(ex, axis=-1, keepdims=True)
    eidx = jax.lax.broadcasted_iota(jnp.int32, probs.shape, 1)
    p1 = jnp.max(probs, axis=-1, keepdims=True)
    i1 = jnp.min(jnp.where(probs >= p1, eidx, _E), axis=-1, keepdims=True)
    probs2 = jnp.where(eidx == i1, -1.0, probs)
    p2 = jnp.max(probs2, axis=-1, keepdims=True)
    i2 = jnp.min(jnp.where(probs2 >= p2, eidx, _E), axis=-1, keepdims=True)
    denom = p1 + p2 + 1e-8
    wpair_ref[0:_S, :] = p1 / denom
    wpair_ref[_S:_P, :] = p2 / denom
    zrow_ref[...] = jnp.zeros_like(zrow_ref)

    lane_e = jax.lax.broadcasted_iota(jnp.int32, (_S, _E), 1)
    oh1 = (lane_e == i1).astype(jnp.float32)
    oh2 = (lane_e == i2).astype(jnp.float32)
    counts = (jnp.sum(oh1, axis=0, keepdims=True)
              + jnp.sum(oh2, axis=0, keepdims=True))
    bc = jnp.maximum(1.0, jnp.ceil(counts / _T))
    ei = jax.lax.broadcasted_iota(jnp.int32, (_E, _E), 0)
    ej = jax.lax.broadcasted_iota(jnp.int32, (_E, _E), 1)
    triu_strict = (ei < ej).astype(jnp.float32)
    bbase = jnp.dot(bc, triu_strict, preferred_element_type=jnp.float32,
                    precision=jax.lax.Precision.HIGHEST)
    opad = bbase * _T
    nblk_ref[...] = bc.astype(jnp.int32)
    bbase_ref[...] = bbase.astype(jnp.int32)
    meta_ref[...] = jnp.concatenate(
        [bbase.astype(jnp.int32), bc.astype(jnp.int32)], axis=1)

    ci = jax.lax.broadcasted_iota(jnp.int32, (512, 512), 0)
    cj = jax.lax.broadcasted_iota(jnp.int32, (512, 512), 1)
    lt_strict = (cj < ci).astype(jnp.float32)
    carry = jnp.zeros((1, _E), jnp.float32)
    for c in range(_P // 512):
        base = c * 512
        if c < _S // 512:
            sel = i1[base:base + 512]
        else:
            sel = i2[base - _S:base - _S + 512]
        ohc = (jax.lax.broadcasted_iota(jnp.int32, (512, _E), 1)
               == sel).astype(jnp.float32)
        excl = jnp.dot(lt_strict, ohc, preferred_element_type=jnp.float32,
                       precision=jax.lax.Precision.HIGHEST) + carry
        carry = carry + jnp.sum(ohc, axis=0, keepdims=True)
        dstc = jnp.sum(ohc * (opad + excl), axis=1, keepdims=True)
        dst_ref[base:base + 512, :] = dstc.astype(jnp.int32)


def _k2_dispatch(dst_hbm, wp_hbm, x_hbm, xs_hbm, ws_hbm, src_hbm,
                 dstv, wv, srcv, wsv, idxga, idxgb, bufa, bufb, sem):
    cid = lax.axis_index("c")
    tid = lax.axis_index("s")
    wid = cid * 16 + tid
    base = wid * _RPW

    pltpu.sync_copy(dst_hbm, dstv)
    pltpu.sync_copy(wp_hbm, wv)

    zi = jnp.zeros((16,), jnp.int32)
    zf = jnp.zeros((16,), jnp.float32)

    @plsc.parallel_loop(0, _RPW // 16, unroll=4)
    def _init(i):
        srcv[pl.ds(i * 16, 16)] = zi
        wsv[pl.ds(i * 16, 16)] = zf

    lane = lax.broadcasted_iota(jnp.int32, (16,), 0)

    @plsc.parallel_loop(0, _P // 16, unroll=8)
    def _scatter(i):
        p0 = i * 16
        idx = dstv[pl.ds(p0, 16)] - base
        msk = (idx >= 0) & (idx < _RPW)
        idxc = jnp.where(msk, idx, 0)
        pv = lane + p0
        tok = jnp.where(pv >= _S, pv - _S, pv)
        plsc.store_scatter(srcv, [idxc], tok, mask=msk)
        plsc.store_scatter(wsv, [idxc], wv[pl.ds(p0, 16)], mask=msk)

    pltpu.sync_copy(wsv, ws_hbm.at[pl.ds(base, _RPW)])
    pltpu.sync_copy(srcv, src_hbm.at[pl.ds(base, _RPW)])

    bufs = (bufa, bufb)
    idxg = (idxga, idxgb)
    cps = [None, None]

    def _ldidx(which, j):
        @plsc.parallel_loop(0, 4, unroll=4)
        def _cp(u):
            which[pl.ds(u * 16, 16)] = srcv[pl.ds(j * 64 + u * 16, 16)]

    _ldidx(idxga, 0)
    cps[0] = pltpu.make_async_copy(x_hbm.at[idxga], bufa, sem)
    cps[0].start()
    for j in range(3):
        if j + 1 < 3:
            nb = (j + 1) % 2
            _ldidx(idxg[nb], j + 1)
            cps[nb] = pltpu.make_async_copy(x_hbm.at[idxg[nb]], bufs[nb], sem)
            cps[nb].start()
        cps[j % 2].wait()
        pltpu.sync_copy(bufs[j % 2], xs_hbm.at[pl.ds(base + j * 64, 64)])


def _k4_combine(y_hbm, dst_hbm, out_hbm, d1v, d2v, buf1, buf2, sem1, sem2):
    cid = lax.axis_index("c")
    tid = lax.axis_index("s")
    wid = cid * 16 + tid
    t0 = wid * (_S // _NW)
    pltpu.sync_copy(dst_hbm.at[pl.ds(t0, 64)], d1v)
    pltpu.sync_copy(dst_hbm.at[pl.ds(_S + t0, 64)], d2v)
    cp1 = pltpu.make_async_copy(y_hbm.at[d1v], buf1, sem1)
    cp1.start()
    cp2 = pltpu.make_async_copy(y_hbm.at[d2v], buf2, sem2)
    cp2.start()
    cp1.wait()
    cp2.wait()

    @plsc.parallel_loop(0, 64 * 12, unroll=4)
    def _add(q):
        r = q // 12
        c = (q % 12) * 64
        for u in range(4):
            plsc.addupdate(buf1.at[r, pl.ds(c + u * 16, 16)],
                           buf2[r, pl.ds(c + u * 16, 16)])
    pltpu.sync_copy(buf1, out_hbm.at[pl.ds(t0, 64)])


def _k3_mlp(nblk_ref, bbase_ref, x_ref, ws_ref, win_ref, bin_ref, wout_ref,
            bout_ref, y_ref):
    e = pl.program_id(0)
    b = pl.program_id(1)

    @pl.when(b < nblk_ref[e])
    def _():
        xbf = x_ref[...].astype(jnp.bfloat16)
        h = jnp.dot(xbf, win_ref[0].astype(jnp.bfloat16),
                    preferred_element_type=jnp.float32)
        h = h + bin_ref[0]
        g = 0.5 * h * (1.0 + jax.lax.erf(h * 0.7071067811865476))
        o = jnp.dot(g.astype(jnp.bfloat16), wout_ref[0].astype(jnp.bfloat16),
                    preferred_element_type=jnp.float32)
        o = o + bout_ref[0]
        y_ref[...] = o * ws_ref[...]


def _row_idx(e, b, nblk, bbase):
    return (bbase[e] + jnp.minimum(b, nblk[e] - 1), 0)


def kernel(residual, router_w, W_in, b_in, W_out, b_out):
    S, D, F, E, T = _S, _D, _F, _E, _T
    x2d = residual.reshape(S, D)
    dst, wpair, nblk, bbase, meta, zrow = pl.pallas_call(
        _k1_router,
        grid=(1,),
        in_specs=[
            pl.BlockSpec((1, S, D), lambda i: (0, 0, 0)),
            pl.BlockSpec((E, D), lambda i: (0, 0)),
        ],
        out_specs=[
            pl.BlockSpec((_P, 1), lambda i: (0, 0)),
            pl.BlockSpec((_P, 1), lambda i: (0, 0)),
            pl.BlockSpec((1, E), lambda i: (0, 0)),
            pl.BlockSpec((1, E), lambda i: (0, 0)),
            pl.BlockSpec((1, 16), lambda i: (0, 0)),
            pl.BlockSpec((16, D), lambda i: (0, 0)),
        ],
        out_shape=[
            jax.ShapeDtypeStruct((_P, 1), jnp.int32),
            jax.ShapeDtypeStruct((_P, 1), jnp.float32),
            jax.ShapeDtypeStruct((1, E), jnp.int32),
            jax.ShapeDtypeStruct((1, E), jnp.int32),
            jax.ShapeDtypeStruct((1, 16), jnp.int32),
            jax.ShapeDtypeStruct((16, D), jnp.float32),
        ],
    )(residual, router_w)

    dst1 = dst.reshape(_P)
    wp1 = wpair.reshape(_P)
    nblk1 = nblk.reshape(E)
    bbase1 = bbase.reshape(E)
    meta1 = meta.reshape(16)

    mesh = plsc.VectorSubcoreMesh(core_axis_name="c", subcore_axis_name="s")
    k2 = functools.partial(
        pl.kernel,
        mesh=mesh,
        compiler_params=pltpu.CompilerParams(needs_layout_passes=False),
        out_type=[
            jax.ShapeDtypeStruct((_NSLOT, D), jnp.float32),
            jax.ShapeDtypeStruct((_NSLOT,), jnp.float32),
            jax.ShapeDtypeStruct((_NSLOT,), jnp.int32),
        ],
        scratch_types=[
            pltpu.VMEM((_P,), jnp.int32),
            pltpu.VMEM((_P,), jnp.float32),
            pltpu.VMEM((_RPW,), jnp.int32),
            pltpu.VMEM((_RPW,), jnp.float32),
            pltpu.VMEM((64,), jnp.int32),
            pltpu.VMEM((64,), jnp.int32),
            pltpu.VMEM((64, D), jnp.float32),
            pltpu.VMEM((64, D), jnp.float32),
            pltpu.SemaphoreType.DMA,
        ],
    )(_k2_dispatch)
    x_sorted, w_slot, src_sorted = k2(dst1, wp1, x2d)

    grid_spec = pltpu.PrefetchScalarGridSpec(
        num_scalar_prefetch=2,
        grid=(E, _MAXB),
        in_specs=[
            pl.BlockSpec((T, D), _row_idx),
            pl.BlockSpec((T, 1), _row_idx),
            pl.BlockSpec((1, D, F), lambda e, b, nb, bb: (e, 0, 0)),
            pl.BlockSpec((1, 1, F), lambda e, b, nb, bb: (e, 0, 0)),
            pl.BlockSpec((1, F, D), lambda e, b, nb, bb: (e, 0, 0)),
            pl.BlockSpec((1, 1, D), lambda e, b, nb, bb: (e, 0, 0)),
        ],
        out_specs=pl.BlockSpec((T, D), _row_idx),
    )
    y = pl.pallas_call(
        _k3_mlp,
        grid_spec=grid_spec,
        out_shape=jax.ShapeDtypeStruct((_NSLOT, D), jnp.float32),
    )(nblk1, bbase1, x_sorted, w_slot.reshape(_NSLOT, 1), W_in,
      b_in.reshape(E, 1, F), W_out, b_out.reshape(E, 1, D))

    k4 = functools.partial(
        pl.kernel,
        mesh=mesh,
        compiler_params=pltpu.CompilerParams(needs_layout_passes=False),
        out_type=jax.ShapeDtypeStruct((S, D), jnp.float32),
        scratch_types=[
            pltpu.VMEM((64,), jnp.int32),
            pltpu.VMEM((64,), jnp.int32),
            pltpu.VMEM((64, D), jnp.float32),
            pltpu.VMEM((64, D), jnp.float32),
            pltpu.SemaphoreType.DMA,
            pltpu.SemaphoreType.DMA,
        ],
    )(_k4_combine)
    out = k4(y, dst1)
    return out.reshape(_B, S, D)

# --- scband reference (transcript-rebuilt; emitter-appended) ---
"""Pipeline reference for scband-mo-emlpbase-42348377538842 (READ-ONLY COPY).

The authoritative reference and input builder live on the scoring server;
editing this copy changes nothing except your own understanding.
"""

import jax, jax.numpy as jnp
import numpy as np

B, S, D, F, E, K = 1, 2048, 768, 1536, 8, 2


def setup_inputs(seed: int = 0) -> dict:
    key = jax.random.key(seed)
    ks = jax.random.split(key, 6)
    residual = jax.random.normal(ks[0], (B, S, D), dtype=jnp.float32)
    router_w = jax.random.normal(ks[1], (E, D), dtype=jnp.float32) * 0.02
    W_in = jax.random.normal(ks[2], (E, D, F), dtype=jnp.float32) * 0.02
    b_in = jnp.zeros((E, F), dtype=jnp.float32)
    W_out = jax.random.normal(ks[3], (E, F, D), dtype=jnp.float32) * 0.02
    b_out = jnp.zeros((E, D), dtype=jnp.float32)
    return {"residual": residual, "router_w": router_w, "W_in": W_in, "b_in": b_in, "W_out": W_out, "b_out": b_out}


def reference(residual, router_w, W_in, b_in, W_out, b_out):
    # _compute_routing
    router_logits = jnp.einsum('bsd,ed->bse', residual, router_w)
    router_probs = jax.nn.softmax(router_logits, axis=-1)
    top_k_probs, top_k_indices = jax.lax.top_k(router_probs, K)
    top_k_probs = top_k_probs / (jnp.sum(top_k_probs, axis=-1, keepdims=True) + 1e-08)
    # _process_experts: each expert runs on the full residual (faithful to the
    # dense per-expert loop), then is weighted by its (possibly zero) routing weight.
    h = jnp.einsum('bsd,edf->ebsf', residual, W_in) + b_in[:, None, None, :]
    h = jax.nn.gelu(h, approximate=False)
    expert_out = jnp.einsum('ebsf,efd->ebsd', h, W_out) + b_out[:, None, None, :]
    # expert_weights[b,s,e] = sum_k top_k_probs[b,s,k] * (top_k_indices[b,s,k]==e)
    onehot = jax.nn.one_hot(top_k_indices, E, dtype=residual.dtype)  # [B,S,K,E]
    expert_weights = jnp.einsum('bsk,bske->bse', top_k_probs, onehot)
    output = jnp.einsum('bse,ebsd->bsd', expert_weights, expert_out)
    # eval mode: aux_loss is None; return the MoE output
    return output

if __name__ == "__main__":
    import jax
    _d = setup_inputs()
    print(jax.jit(kernel)(*tuple(_d.values())))

</pallas_src>

<mosaic_0001>
#map = affine_map<(d0, d1) -> (0, 0)>
#map1 = affine_map<(d0, d1) -> (0)>
module attributes {stable_mosaic.version = 14 : i64} {
  func.func @_k4_combine(%arg0: i32, %arg1: i32, %arg2: memref<6144x768xf32, #tpu.memory_space<hbm>>, %arg3: memref<4096xi32, #tpu.memory_space<hbm>>, %arg4: memref<2048x768xf32, #tpu.memory_space<hbm>>, %arg5: memref<64xi32, #tpu.memory_space<vmem>>, %arg6: memref<64xi32, #tpu.memory_space<vmem>>, %arg7: memref<64x768xf32, #tpu.memory_space<vmem>>, %arg8: memref<64x768xf32, #tpu.memory_space<vmem>>, %arg9: memref<!tpu.dma_semaphore, #tpu.memory_space<semaphore_mem>>, %arg10: memref<!tpu.dma_semaphore, #tpu.memory_space<semaphore_mem>>) attributes {dimension_semantics = [#tpu.dimension_semantics<core_parallel>, #tpu.dimension_semantics<subcore_parallel>], iteration_bounds = array<i64: 2, 16>, scalar_prefetch = 0 : i64, scratch_operands = 6 : i64, tpu.core_type = #tpu.core_type<sc_vector_subcore>, window_params = [{transform_indices = #map}, {transform_indices = #map1}, {transform_indices = #map}]} {
    %mul3A = arith.constant 16 : i32
    %mul3A_0 = arith.muli %arg0, %mul3A : i32
    %add3A = arith.addi %mul3A_0, %arg1 : i32
    %mul3A_1 = arith.constant 64 : i32
    %mul3A_2 = arith.muli %add3A, %mul3A_1 : i32
    "tpu.region"() ({
      %run_scoped3A = tpu.sem_alloc : memref<!tpu.dma_semaphore, #tpu.memory_space<semaphore_mem>>
      %dma_start3A_17 = tpu.memref_slice %arg3[%mul3A_2] : memref<4096xi32, #tpu.memory_space<hbm>> -> memref<64xi32, #tpu.memory_space<hbm>>
      %dma_start3A_18 = tpu.memref_slice %arg3[%mul3A_2] : memref<4096xi32, #tpu.memory_space<hbm>> -> memref<64xi32, #tpu.memory_space<hbm>>
      tpu.enqueue_dma source(%dma_start3A_18 : memref<64xi32, #tpu.memory_space<hbm>>) target(%arg5 : memref<64xi32, #tpu.memory_space<vmem>>) target_semaphore(%run_scoped3A : memref<!tpu.dma_semaphore, #tpu.memory_space<semaphore_mem>>)
      %dma_wait3A_19 = tpu.memref_slice %arg3[%mul3A_2] : memref<4096xi32, #tpu.memory_space<hbm>> -> memref<64xi32, #tpu.memory_space<hbm>>
      %dma_wait3A_20 = tpu.memref_slice %arg3[%mul3A_2] : memref<4096xi32, #tpu.memory_space<hbm>> -> memref<64xi32, #tpu.memory_space<hbm>>
      tpu.wait_dma2 semaphore(%run_scoped3A : memref<!tpu.dma_semaphore, #tpu.memory_space<semaphore_mem>>) src(%dma_wait3A_20 : memref<64xi32, #tpu.memory_space<hbm>>) dst(%arg5 : memref<64xi32, #tpu.memory_space<vmem>>)
      tpu.yield
    }) : () -> ()
    %add3A_3 = arith.constant 2048 : i32
    %add3A_4 = arith.addi %add3A_3, %mul3A_2 : i32
    "tpu.region"() ({
      %run_scoped3A = tpu.sem_alloc : memref<!tpu.dma_semaphore, #tpu.memory_space<semaphore_mem>>
      %dma_start3A_17 = tpu.memref_slice %arg3[%add3A_4] : memref<4096xi32, #tpu.memory_space<hbm>> -> memref<64xi32, #tpu.memory_space<hbm>>
      %dma_start3A_18 = tpu.memref_slice %arg3[%add3A_4] : memref<4096xi32, #tpu.memory_space<hbm>> -> memref<64xi32, #tpu.memory_space<hbm>>
      tpu.enqueue_dma source(%dma_start3A_18 : memref<64xi32, #tpu.memory_space<hbm>>) target(%arg6 : memref<64xi32, #tpu.memory_space<vmem>>) target_semaphore(%run_scoped3A : memref<!tpu.dma_semaphore, #tpu.memory_space<semaphore_mem>>)
      %dma_wait3A_19 = tpu.memref_slice %arg3[%add3A_4] : memref<4096xi32, #tpu.memory_space<hbm>> -> memref<64xi32, #tpu.memory_space<hbm>>
      %dma_wait3A_20 = tpu.memref_slice %arg3[%add3A_4] : memref<4096xi32, #tpu.memory_space<hbm>> -> memref<64xi32, #tpu.memory_space<hbm>>
      tpu.wait_dma2 semaphore(%run_scoped3A : memref<!tpu.dma_semaphore, #tpu.memory_space<semaphore_mem>>) src(%dma_wait3A_20 : memref<64xi32, #tpu.memory_space<hbm>>) dst(%arg6 : memref<64xi32, #tpu.memory_space<vmem>>)
      tpu.yield
    }) : () -> ()
    %dma_start3A = arith.constant 0 : i32
    %dma_start3A_5 = arith.constant 0 : i32
    %dma_start3A_6 = tpu.memref_slice %arg2[%dma_start3A, %dma_start3A_5] : memref<6144x768xf32, #tpu.memory_space<hbm>> -> memref<6144x768xf32, #tpu.memory_space<hbm>>
    tpu.enqueue_indirect_dma source(%dma_start3A_6 : memref<6144x768xf32, #tpu.memory_space<hbm>>) target(%arg7 : memref<64x768xf32, #tpu.memory_space<vmem>>) offsets(%arg5 : memref<64xi32, #tpu.memory_space<vmem>>) semaphore(%arg9 : memref<!tpu.dma_semaphore, #tpu.memory_space<semaphore_mem>>)
    %dma_start3A_7 = arith.constant 0 : i32
    %dma_start3A_8 = arith.constant 0 : i32
    %dma_start3A_9 = tpu.memref_slice %arg2[%dma_start3A_7, %dma_start3A_8] : memref<6144x768xf32, #tpu.memory_space<hbm>> -> memref<6144x768xf32, #tpu.memory_space<hbm>>
    tpu.enqueue_indirect_dma source(%dma_start3A_9 : memref<6144x768xf32, #tpu.memory_space<hbm>>) target(%arg8 : memref<64x768xf32, #tpu.memory_space<vmem>>) offsets(%arg6 : memref<64xi32, #tpu.memory_space<vmem>>) semaphore(%arg10 : memref<!tpu.dma_semaphore, #tpu.memory_space<semaphore_mem>>)
    %dma_wait3A = arith.constant 0 : i32
    %dma_wait3A_10 = arith.constant 0 : i32
    %dma_wait3A_11 = tpu.memref_slice %arg2[%dma_wait3A, %dma_wait3A_10] : memref<6144x768xf32, #tpu.memory_space<hbm>> -> memref<6144x768xf32, #tpu.memory_space<hbm>>
    tpu.wait_indirect_dma semaphore(%arg9 : memref<!tpu.dma_semaphore, #tpu.memory_space<semaphore_mem>>) src(%dma_wait3A_11 : memref<6144x768xf32, #tpu.memory_space<hbm>>) dst(%arg7 : memref<64x768xf32, #tpu.memory_space<vmem>>)
    %dma_wait3A_12 = arith.constant 0 : i32
    %dma_wait3A_13 = arith.constant 0 : i32
    %dma_wait3A_14 = tpu.memref_slice %arg2[%dma_wait3A_12, %dma_wait3A_13] : memref<6144x768xf32, #tpu.memory_space<hbm>> -> memref<6144x768xf32, #tpu.memory_space<hbm>>
    tpu.wait_indirect_dma semaphore(%arg10 : memref<!tpu.dma_semaphore, #tpu.memory_space<semaphore_mem>>) src(%dma_wait3A_14 : memref<6144x768xf32, #tpu.memory_space<hbm>>) dst(%arg8 : memref<64x768xf32, #tpu.memory_space<vmem>>)
    %parallel_loop3A = arith.constant 0 : i32
    %parallel_loop3A_15 = arith.constant 768 : i32
    %parallel_loop3A_16 = arith.constant 1 : i32
    scf.for %parallel_loop3A_17 = %parallel_loop3A to %parallel_loop3A_15 step %parallel_loop3A_16  : i32 {
      %parallel_loop3A_18 = arith.constant 12 : i32
      %parallel_loop3A_19 = arith.divsi %parallel_loop3A_17, %parallel_loop3A_18 : i32
      %parallel_loop3A_20 = arith.constant 0 : i32
      %parallel_loop3A_21 = arith.cmpi sgt, %parallel_loop3A_17, %parallel_loop3A_20 : i32
      %parallel_loop3A_22 = arith.extui %parallel_loop3A_21 : i1 to i32
      %parallel_loop3A_23 = arith.constant 0 : i32
      %parallel_loop3A_24 = arith.cmpi slt, %parallel_loop3A_17, %parallel_loop3A_23 : i32
      %parallel_loop3A_25 = arith.extui %parallel_loop3A_24 : i1 to i32
      %parallel_loop3A_26 = arith.subi %parallel_loop3A_22, %parallel_loop3A_25 : i32
      %parallel_loop3A_27 = arith.constant 0 : i32
      %parallel_loop3A_28 = arith.cmpi sgt, %parallel_loop3A_18, %parallel_loop3A_27 : i32
      %parallel_loop3A_29 = arith.extui %parallel_loop3A_28 : i1 to i32
      %parallel_loop3A_30 = arith.constant 0 : i32
      %parallel_loop3A_31 = arith.cmpi slt, %parallel_loop3A_18, %parallel_loop3A_30 : i32
      %parallel_loop3A_32 = arith.extui %parallel_loop3A_31 : i1 to i32
      %parallel_loop3A_33 = arith.subi %parallel_loop3A_29, %parallel_loop3A_32 : i32
      %parallel_loop3A_34 = arith.cmpi ne, %parallel_loop3A_26, %parallel_loop3A_33 : i32
      %parallel_loop3A_35 = arith.remsi %parallel_loop3A_17, %parallel_loop3A_18 : i32
      %parallel_loop3A_36 = arith.constant 0 : i32
      %parallel_loop3A_37 = arith.cmpi ne, %parallel_loop3A_35, %parallel_loop3A_36 : i32
      %parallel_loop3A_38 = arith.andi %parallel_loop3A_34, %parallel_loop3A_37 : i1
      %parallel_loop3A_39 = arith.constant 1 : i32
      %parallel_loop3A_40 = arith.subi %parallel_loop3A_19, %parallel_loop3A_39 : i32
      %parallel_loop3A_41 = arith.select %parallel_loop3A_38, %parallel_loop3A_40, %parallel_loop3A_19 : i32
      %parallel_loop3A_42 = arith.constant 12 : i32
      %parallel_loop3A_43 = arith.constant 0 : i32
      %parallel_loop3A_44 = arith.cmpi eq, %parallel_loop3A_42, %parallel_loop3A_43 : i32
      %parallel_loop3A_45 = arith.constant 1 : i32
      %parallel_loop3A_46 = arith.select %parallel_loop3A_44, %parallel_loop3A_45, %parallel_loop3A_42 : i32
      %parallel_loop3A_47 = arith.remsi %parallel_loop3A_17, %parallel_loop3A_46 : i32
      %parallel_loop3A_48 = arith.constant 0 : i32
      %parallel_loop3A_49 = arith.cmpi ne, %parallel_loop3A_47, %parallel_loop3A_48 : i32
      %parallel_loop3A_50 = arith.constant 0 : i32
      %parallel_loop3A_51 = arith.cmpi slt, %parallel_loop3A_47, %parallel_loop3A_50 : i32
      %parallel_loop3A_52 = arith.constant 0 : i32
      %parallel_loop3A_53 = arith.cmpi slt, %parallel_loop3A_46, %parallel_loop3A_52 : i32
      %parallel_loop3A_54 = arith.xori %parallel_loop3A_51, %parallel_loop3A_53 : i1
      %parallel_loop3A_55 = arith.andi %parallel_loop3A_54, %parallel_loop3A_49 : i1
      %parallel_loop3A_56 = arith.addi %parallel_loop3A_47, %parallel_loop3A_46 : i32
      %parallel_loop3A_57 = arith.select %parallel_loop3A_55, %parallel_loop3A_56, %parallel_loop3A_47 : i32
      %parallel_loop3A_58 = arith.constant 64 : i32
      %parallel_loop3A_59 = arith.muli %parallel_loop3A_57, %parallel_loop3A_58 : i32
      %parallel_loop3A_60 = arith.constant 0 : i32
      %parallel_loop3A_61 = arith.addi %parallel_loop3A_59, %parallel_loop3A_60 : i32
      %parallel_loop3A_62 = arith.constant 0 : i32
      %parallel_loop3A_63 = arith.addi %parallel_loop3A_59, %parallel_loop3A_62 : i32
      %parallel_loop3A_64 = arith.index_cast %parallel_loop3A_41 : i32 to index
      %parallel_loop3A_65 = arith.index_cast %parallel_loop3A_63 : i32 to index
      %parallel_loop3A_66 = tpu.vector_load %arg8[%parallel_loop3A_64, %parallel_loop3A_65] {strides = array<i32>} : memref<64x768xf32, #tpu.memory_space<vmem>>, vector<16xf32>,
      %parallel_loop3A_67 = arith.index_cast %parallel_loop3A_41 : i32 to index
      %parallel_loop3A_68 = arith.index_cast %parallel_loop3A_61 : i32 to index
      %parallel_loop3A_69 = tpu.vector_load %arg7[%parallel_loop3A_67, %parallel_loop3A_68] {strides = array<i32>} : memref<64x768xf32, #tpu.memory_space<vmem>>, vector<16xf32>,
      tpu.vector_store %arg7[%parallel_loop3A_67, %parallel_loop3A_68], %parallel_loop3A_66 {add = true, strides = array<i32>} : memref<64x768xf32, #tpu.memory_space<vmem>>, vector<16xf32>,
      %parallel_loop3A_70 = arith.constant 16 : i32
      %parallel_loop3A_71 = arith.addi %parallel_loop3A_59, %parallel_loop3A_70 : i32
      %parallel_loop3A_72 = arith.constant 16 : i32
      %parallel_loop3A_73 = arith.addi %parallel_loop3A_59, %parallel_loop3A_72 : i32
      %parallel_loop3A_74 = arith.index_cast %parallel_loop3A_41 : i32 to index
      %parallel_loop3A_75 = arith.index_cast %parallel_loop3A_73 : i32 to index
      %parallel_loop3A_76 = tpu.vector_load %arg8[%parallel_loop3A_74, %parallel_loop3A_75] {strides = array<i32>} : memref<64x768xf32, #tpu.memory_space<vmem>>, vector<16xf32>,
      %parallel_loop3A_77 = arith.index_cast %parallel_loop3A_41 : i32 to index
      %parallel_loop3A_78 = arith.index_cast %parallel_loop3A_71 : i32 to index
      %parallel_loop3A_79 = tpu.vector_load %arg7[%parallel_loop3A_77, %parallel_loop3A_78] {strides = array<i32>} : memref<64x768xf32, #tpu.memory_space<vmem>>, vector<16xf32>,
      tpu.vector_store %arg7[%parallel_loop3A_77, %parallel_loop3A_78], %parallel_loop3A_76 {add = true, strides = array<i32>} : memref<64x768xf32, #tpu.memory_space<vmem>>, vector<16xf32>,
      %parallel_loop3A_80 = arith.constant 32 : i32
      %parallel_loop3A_81 = arith.addi %parallel_loop3A_59, %parallel_loop3A_80 : i32
      %parallel_loop3A_82 = arith.constant 32 : i32
      %parallel_loop3A_83 = arith.addi %parallel_loop3A_59, %parallel_loop3A_82 : i32
      %parallel_loop3A_84 = arith.index_cast %parallel_loop3A_41 : i32 to index
      %parallel_loop3A_85 = arith.index_cast %parallel_loop3A_83 : i32 to index
      %parallel_loop3A_86 = tpu.vector_load %arg8[%parallel_loop3A_84, %parallel_loop3A_85] {strides = array<i32>} : memref<64x768xf32, #tpu.memory_space<vmem>>, vector<16xf32>,
      %parallel_loop3A_87 = arith.index_cast %parallel_loop3A_41 : i32 to index
      %parallel_loop3A_88 = arith.index_cast %parallel_loop3A_81 : i32 to index
      %parallel_loop3A_89 = tpu.vector_load %arg7[%parallel_loop3A_87, %parallel_loop3A_88] {strides = array<i32>} : memref<64x768xf32, #tpu.memory_space<vmem>>, vector<16xf32>,
      tpu.vector_store %arg7[%parallel_loop3A_87, %parallel_loop3A_88], %parallel_loop3A_86 {add = true, strides = array<i32>} : memref<64x768xf32, #tpu.memory_space<vmem>>, vector<16xf32>,
      %parallel_loop3A_90 = arith.constant 48 : i32
      %parallel_loop3A_91 = arith.addi %parallel_loop3A_59, %parallel_loop3A_90 : i32
      %parallel_loop3A_92 = arith.constant 48 : i32
      %parallel_loop3A_93 = arith.addi %parallel_loop3A_59, %parallel_loop3A_92 : i32
      %parallel_loop3A_94 = arith.index_cast %parallel_loop3A_41 : i32 to index
      %parallel_loop3A_95 = arith.index_cast %parallel_loop3A_93 : i32 to index
      %parallel_loop3A_96 = tpu.vector_load %arg8[%parallel_loop3A_94, %parallel_loop3A_95] {strides = array<i32>} : memref<64x768xf32, #tpu.memory_space<vmem>>, vector<16xf32>,
      %parallel_loop3A_97 = arith.index_cast %parallel_loop3A_41 : i32 to index
      %parallel_loop3A_98 = arith.index_cast %parallel_loop3A_91 : i32 to index
      %parallel_loop3A_99 = tpu.vector_load %arg7[%parallel_loop3A_97, %parallel_loop3A_98] {strides = array<i32>} : memref<64x768xf32, #tpu.memory_space<vmem>>, vector<16xf32>,
      tpu.vector_store %arg7[%parallel_loop3A_97, %parallel_loop3A_98], %parallel_loop3A_96 {add = true, strides = array<i32>} : memref<64x768xf32, #tpu.memory_space<vmem>>, vector<16xf32>,
    } {sc.loop_unroll_factor = 4 : i64, sc.parallel_access}
    "tpu.region"() ({
      %run_scoped3A = tpu.sem_alloc : memref<!tpu.dma_semaphore, #tpu.memory_space<semaphore_mem>>
      %dma_start3A_17 = arith.constant 0 : i32
      %dma_start3A_18 = tpu.memref_slice %arg4[%mul3A_2, %dma_start3A_17] : memref<2048x768xf32, #tpu.memory_space<hbm>> -> memref<64x768xf32, #tpu.memory_space<hbm>>
      %dma_start3A_19 = arith.constant 0 : i32
      %dma_start3A_20 = tpu.memref_slice %arg4[%mul3A_2, %dma_start3A_19] : memref<2048x768xf32, #tpu.memory_space<hbm>> -> memref<64x768xf32, #tpu.memory_space<hbm>>
      tpu.enqueue_dma source(%arg7 : memref<64x768xf32, #tpu.memory_space<vmem>>) target(%dma_start3A_20 : memref<64x768xf32, #tpu.memory_space<hbm>>) target_semaphore(%run_scoped3A : memref<!tpu.dma_semaphore, #tpu.memory_space<semaphore_mem>>)
      %dma_wait3A_21 = arith.constant 0 : i32
      %dma_wait3A_22 = tpu.memref_slice %arg4[%mul3A_2, %dma_wait3A_21] : memref<2048x768xf32, #tpu.memory_space<hbm>> -> memref<64x768xf32, #tpu.memory_space<hbm>>
      %dma_wait3A_23 = arith.constant 0 : i32
      %dma_wait3A_24 = tpu.memref_slice %arg4[%mul3A_2, %dma_wait3A_23] : memref<2048x768xf32, #tpu.memory_space<hbm>> -> memref<64x768xf32, #tpu.memory_space<hbm>>
      tpu.wait_dma2 semaphore(%run_scoped3A : memref<!tpu.dma_semaphore, #tpu.memory_space<semaphore_mem>>) src(%arg7 : memref<64x768xf32, #tpu.memory_space<vmem>>) dst(%dma_wait3A_24 : memref<64x768xf32, #tpu.memory_space<hbm>>)
      tpu.yield
    }) : () -> ()
    return
  }
}

#map = affine_map<(d0, d1) -> (0)>
#map1 = affine_map<(d0, d1) -> (0, 0)>
module attributes {stable_mosaic.version = 14 : i64} {
  func.func @_k2_dispatch(%arg0: i32, %arg1: i32, %arg2: memref<4096xi32, #tpu.memory_space<hbm>>, %arg3: memref<4096xf32, #tpu.memory_space<hbm>>, %arg4: memref<2048x768xf32, #tpu.memory_space<hbm>>, %arg5: memref<6144x768xf32, #tpu.memory_space<hbm>>, %arg6: memref<6144xf32, #tpu.memory_space<hbm>>, %arg7: memref<6144xi32, #tpu.memory_space<hbm>>, %arg8: memref<4096xi32, #tpu.memory_space<vmem>>, %arg9: memref<4096xf32, #tpu.memory_space<vmem>>, %arg10: memref<192xi32, #tpu.memory_space<vmem>>, %arg11: memref<192xf32, #tpu.memory_space<vmem>>, %arg12: memref<64xi32, #tpu.memory_space<vmem>>, %arg13: memref<64xi32, #tpu.memory_space<vmem>>, %arg14: memref<64x768xf32, #tpu.memory_space<vmem>>, %arg15: memref<64x768xf32, #tpu.memory_space<vmem>>, %arg16: memref<!tpu.dma_semaphore, #tpu.memory_space<semaphore_mem>>) attributes {dimension_semantics = [#tpu.dimension_semantics<core_parallel>, #tpu.dimension_semantics<subcore_parallel>], iteration_bounds = array<i64: 2, 16>, scalar_prefetch = 0 : i64, scratch_operands = 9 : i64, tpu.core_type = #tpu.core_type<sc_vector_subcore>, window_params = [{transform_indices = #map}, {transform_indices = #map}, {transform_indices = #map1}, {transform_indices = #map1}, {transform_indices = #map}, {transform_indices = #map}]} {
    %mul3A = arith.constant 16 : i32
    %mul3A_0 = arith.muli %arg0, %mul3A : i32
    %add3A = arith.addi %mul3A_0, %arg1 : i32
    %mul3A_1 = arith.constant 192 : i32
    %mul3A_2 = arith.muli %add3A, %mul3A_1 : i32
    "tpu.region"() ({
      %run_scoped3A = tpu.sem_alloc : memref<!tpu.dma_semaphore, #tpu.memory_space<semaphore_mem>>
      tpu.enqueue_dma source(%arg2 : memref<4096xi32, #tpu.memory_space<hbm>>) target(%arg8 : memref<4096xi32, #tpu.memory_space<vmem>>) target_semaphore(%run_scoped3A : memref<!tpu.dma_semaphore, #tpu.memory_space<semaphore_mem>>)
      tpu.wait_dma2 semaphore(%run_scoped3A : memref<!tpu.dma_semaphore, #tpu.memory_space<semaphore_mem>>) src(%arg2 : memref<4096xi32, #tpu.memory_space<hbm>>) dst(%arg8 : memref<4096xi32, #tpu.memory_space<vmem>>)
      tpu.yield
    }) : () -> ()
    "tpu.region"() ({
      %run_scoped3A = tpu.sem_alloc : memref<!tpu.dma_semaphore, #tpu.memory_space<semaphore_mem>>
      tpu.enqueue_dma source(%arg3 : memref<4096xf32, #tpu.memory_space<hbm>>) target(%arg9 : memref<4096xf32, #tpu.memory_space<vmem>>) target_semaphore(%run_scoped3A : memref<!tpu.dma_semaphore, #tpu.memory_space<semaphore_mem>>)
      tpu.wait_dma2 semaphore(%run_scoped3A : memref<!tpu.dma_semaphore, #tpu.memory_space<semaphore_mem>>) src(%arg3 : memref<4096xf32, #tpu.memory_space<hbm>>) dst(%arg9 : memref<4096xf32, #tpu.memory_space<vmem>>)
      tpu.yield
    }) : () -> ()
    %broadcast_in_dim3A = arith.constant 0 : i32
    %broadcast_in_dim3A_3 = vector.broadcast %broadcast_in_dim3A : i32 to vector<16xi32>
    %broadcast_in_dim3A_4 = arith.constant 0.000000e+00 : f32
    %broadcast_in_dim3A_5 = vector.broadcast %broadcast_in_dim3A_4 : f32 to vector<16xf32>
    %parallel_loop3A = arith.constant 0 : i32
    %parallel_loop3A_6 = arith.constant 12 : i32
    %parallel_loop3A_7 = arith.constant 1 : i32
    scf.for %parallel_loop3A_42 = %parallel_loop3A to %parallel_loop3A_6 step %parallel_loop3A_7  : i32 {
      %parallel_loop3A_43 = arith.constant 16 : i32
      %parallel_loop3A_44 = arith.muli %parallel_loop3A_42, %parallel_loop3A_43 : i32
      %parallel_loop3A_45 = arith.index_cast %parallel_loop3A_44 : i32 to index
      %parallel_loop3A_46 = tpu.vector_load %arg10[%parallel_loop3A_45] {strides = array<i32>} : memref<192xi32, #tpu.memory_space<vmem>>, vector<16xi32>,
      tpu.vector_store %arg10[%parallel_loop3A_45], %broadcast_in_dim3A_3 {strides = array<i32>} : memref<192xi32, #tpu.memory_space<vmem>>, vector<16xi32>,
      %parallel_loop3A_47 = arith.constant 16 : i32
      %parallel_loop3A_48 = arith.muli %parallel_loop3A_42, %parallel_loop3A_47 : i32
      %parallel_loop3A_49 = arith.index_cast %parallel_loop3A_48 : i32 to index
      %parallel_loop3A_50 = tpu.vector_load %arg11[%parallel_loop3A_49] {strides = array<i32>} : memref<192xf32, #tpu.memory_space<vmem>>, vector<16xf32>,
      tpu.vector_store %arg11[%parallel_loop3A_49], %broadcast_in_dim3A_5 {strides = array<i32>} : memref<192xf32, #tpu.memory_space<vmem>>, vector<16xf32>,
    } {sc.loop_unroll_factor = 4 : i64, sc.parallel_access}
    %iota3A = tpu.iota {dimensions = array<i32: 0>} : vector<16xi32>
    %parallel_loop3A_8 = arith.constant 0 : i32
    %parallel_loop3A_9 = arith.constant 256 : i32
    %parallel_loop3A_10 = arith.constant 1 : i32
    scf.for %parallel_loop3A_42 = %parallel_loop3A_8 to %parallel_loop3A_9 step %parallel_loop3A_10  : i32 {
      %parallel_loop3A_43 = arith.constant 16 : i32
      %parallel_loop3A_44 = arith.muli %parallel_loop3A_42, %parallel_loop3A_43 : i32
      %parallel_loop3A_45 = arith.index_cast %parallel_loop3A_44 : i32 to index
      %parallel_loop3A_46 = tpu.vector_load %arg8[%parallel_loop3A_45] {strides = array<i32>} : memref<4096xi32, #tpu.memory_space<vmem>>, vector<16xi32>,
      %parallel_loop3A_47 = vector.broadcast %mul3A_2 : i32 to vector<16xi32>
      %parallel_loop3A_48 = arith.subi %parallel_loop3A_46, %parallel_loop3A_47 : vector<16xi32>
      %parallel_loop3A_49 = arith.constant 0 : i32
      %parallel_loop3A_50 = vector.broadcast %parallel_loop3A_49 : i32 to vector<16xi32>
      %parallel_loop3A_51 = arith.cmpi sge, %parallel_loop3A_48, %parallel_loop3A_50 : vector<16xi32>
      %parallel_loop3A_52 = arith.constant 192 : i32
      %parallel_loop3A_53 = vector.broadcast %parallel_loop3A_52 : i32 to vector<16xi32>
      %parallel_loop3A_54 = arith.cmpi slt, %parallel_loop3A_48, %parallel_loop3A_53 : vector<16xi32>
      %parallel_loop3A_55 = arith.andi %parallel_loop3A_51, %parallel_loop3A_54 : vector<16xi1>
      %parallel_loop3A_56 = arith.constant 0 : i32
      %parallel_loop3A_57 = vector.broadcast %parallel_loop3A_56 : i32 to vector<16xi32>
      %parallel_loop3A_58 = arith.select %parallel_loop3A_55, %parallel_loop3A_48, %parallel_loop3A_57 : vector<16xi1>, vector<16xi32>
      %parallel_loop3A_59 = vector.broadcast %parallel_loop3A_44 : i32 to vector<16xi32>
      %parallel_loop3A_60 = arith.addi %iota3A, %parallel_loop3A_59 : vector<16xi32>
      %parallel_loop3A_61 = arith.constant 2048 : i32
      %parallel_loop3A_62 = vector.broadcast %parallel_loop3A_61 : i32 to vector<16xi32>
      %parallel_loop3A_63 = arith.cmpi sge, %parallel_loop3A_60, %parallel_loop3A_62 : vector<16xi32>
      %parallel_loop3A_64 = arith.constant 2048 : i32
      %parallel_loop3A_65 = vector.broadcast %parallel_loop3A_64 : i32 to vector<16xi32>
      %parallel_loop3A_66 = arith.subi %parallel_loop3A_60, %parallel_loop3A_65 : vector<16xi32>
      %parallel_loop3A_67 = arith.select %parallel_loop3A_63, %parallel_loop3A_66, %parallel_loop3A_60 : vector<16xi1>, vector<16xi32>
      tpu.vector_store_idx %arg10[%parallel_loop3A_58], %parallel_loop3A_67 masked %parallel_loop3A_55 : memref<192xi32, #tpu.memory_space<vmem>>[vector<16xi32>], vector<16xi32>, vector<16xi1>
      %parallel_loop3A_68 = arith.index_cast %parallel_loop3A_44 : i32 to index
      %parallel_loop3A_69 = tpu.vector_load %arg9[%parallel_loop3A_68] {strides = array<i32>} : memref<4096xf32, #tpu.memory_space<vmem>>, vector<16xf32>,
      tpu.vector_store_idx %arg11[%parallel_loop3A_58], %parallel_loop3A_69 masked %parallel_loop3A_55 : memref<192xf32, #tpu.memory_space<vmem>>[vector<16xi32>], vector<16xf32>, vector<16xi1>
    } {sc.loop_unroll_factor = 8 : i64, sc.parallel_access}
    "tpu.region"() ({
      %run_scoped3A = tpu.sem_alloc : memref<!tpu.dma_semaphore, #tpu.memory_space<semaphore_mem>>
      %dma_start3A_42 = tpu.memref_slice %arg6[%mul3A_2] : memref<6144xf32, #tpu.memory_space<hbm>> -> memref<192xf32, #tpu.memory_space<hbm>>
      %dma_start3A_43 = tpu.memref_slice %arg6[%mul3A_2] : memref<6144xf32, #tpu.memory_space<hbm>> -> memref<192xf32, #tpu.memory_space<hbm>>
      tpu.enqueue_dma source(%arg11 : memref<192xf32, #tpu.memory_space<vmem>>) target(%dma_start3A_43 : memref<192xf32, #tpu.memory_space<hbm>>) target_semaphore(%run_scoped3A : memref<!tpu.dma_semaphore, #tpu.memory_space<semaphore_mem>>)
      %dma_wait3A_44 = tpu.memref_slice %arg6[%mul3A_2] : memref<6144xf32, #tpu.memory_space<hbm>> -> memref<192xf32, #tpu.memory_space<hbm>>
      %dma_wait3A_45 = tpu.memref_slice %arg6[%mul3A_2] : memref<6144xf32, #tpu.memory_space<hbm>> -> memref<192xf32, #tpu.memory_space<hbm>>
      tpu.wait_dma2 semaphore(%run_scoped3A : memref<!tpu.dma_semaphore, #tpu.memory_space<semaphore_mem>>) src(%arg11 : memref<192xf32, #tpu.memory_space<vmem>>) dst(%dma_wait3A_45 : memref<192xf32, #tpu.memory_space<hbm>>)
      tpu.yield
    }) : () -> ()
    "tpu.region"() ({
      %run_scoped3A = tpu.sem_alloc : memref<!tpu.dma_semaphore, #tpu.memory_space<semaphore_mem>>
      %dma_start3A_42 = tpu.memref_slice %arg7[%mul3A_2] : memref<6144xi32, #tpu.memory_space<hbm>> -> memref<192xi32, #tpu.memory_space<hbm>>
      %dma_start3A_43 = tpu.memref_slice %arg7[%mul3A_2] : memref<6144xi32, #tpu.memory_space<hbm>> -> memref<192xi32, #tpu.memory_space<hbm>>
      tpu.enqueue_dma source(%arg10 : memref<192xi32, #tpu.memory_space<vmem>>) target(%dma_start3A_43 : memref<192xi32, #tpu.memory_space<hbm>>) target_semaphore(%run_scoped3A : memref<!tpu.dma_semaphore, #tpu.memory_space<semaphore_mem>>)
      %dma_wait3A_44 = tpu.memref_slice %arg7[%mul3A_2] : memref<6144xi32, #tpu.memory_space<hbm>> -> memref<192xi32, #tpu.memory_space<hbm>>
      %dma_wait3A_45 = tpu.memref_slice %arg7[%mul3A_2] : memref<6144xi32, #tpu.memory_space<hbm>> -> memref<192xi32, #tpu.memory_space<hbm>>
      tpu.wait_dma2 semaphore(%run_scoped3A : memref<!tpu.dma_semaphore, #tpu.memory_space<semaphore_mem>>) src(%arg10 : memref<192xi32, #tpu.memory_space<vmem>>) dst(%dma_wait3A_45 : memref<192xi32, #tpu.memory_space<hbm>>)
      tpu.yield
    }) : () -> ()
    %parallel_loop3A_11 = arith.constant 0 : i32
    %parallel_loop3A_12 = arith.constant 4 : i32
    %parallel_loop3A_13 = arith.constant 1 : i32
    scf.for %parallel_loop3A_42 = %parallel_loop3A_11 to %parallel_loop3A_12 step %parallel_loop3A_13  : i32 {
      %parallel_loop3A_43 = arith.constant 16 : i32
      %parallel_loop3A_44 = arith.muli %parallel_loop3A_42, %parallel_loop3A_43 : i32
      %parallel_loop3A_45 = arith.constant 0 : i32
      %parallel_loop3A_46 = arith.addi %parallel_loop3A_45, %parallel_loop3A_44 : i32
      %parallel_loop3A_47 = arith.index_cast %parallel_loop3A_46 : i32 to index
      %parallel_loop3A_48 = tpu.vector_load %arg10[%parallel_loop3A_47] {strides = array<i32>} : memref<192xi32, #tpu.memory_space<vmem>>, vector<16xi32>,
      %parallel_loop3A_49 = arith.constant 16 : i32
      %parallel_loop3A_50 = arith.muli %parallel_loop3A_42, %parallel_loop3A_49 : i32
      %parallel_loop3A_51 = arith.index_cast %parallel_loop3A_50 : i32 to index
      %parallel_loop3A_52 = tpu.vector_load %arg12[%parallel_loop3A_51] {strides = array<i32>} : memref<64xi32, #tpu.memory_space<vmem>>, vector<16xi32>,
      tpu.vector_store %arg12[%parallel_loop3A_51], %parallel_loop3A_48 {strides = array<i32>} : memref<64xi32, #tpu.memory_space<vmem>>, vector<16xi32>,
    } {sc.loop_unroll_factor = 4 : i64, sc.parallel_access}
    %dma_start3A = arith.constant 0 : i32
    %dma_start3A_14 = arith.constant 0 : i32
    %dma_start3A_15 = tpu.memref_slice %arg4[%dma_start3A, %dma_start3A_14] : memref<2048x768xf32, #tpu.memory_space<hbm>> -> memref<2048x768xf32, #tpu.memory_space<hbm>>
    tpu.enqueue_indirect_dma source(%dma_start3A_15 : memref<2048x768xf32, #tpu.memory_space<hbm>>) target(%arg14 : memref<64x768xf32, #tpu.memory_space<vmem>>) offsets(%arg12 : memref<64xi32, #tpu.memory_space<vmem>>) semaphore(%arg16 : memref<!tpu.dma_semaphore, #tpu.memory_space<semaphore_mem>>)
    %parallel_loop3A_16 = arith.constant 0 : i32
    %parallel_loop3A_17 = arith.constant 4 : i32
    %parallel_loop3A_18 = arith.constant 1 : i32
    scf.for %parallel_loop3A_42 = %parallel_loop3A_16 to %parallel_loop3A_17 step %parallel_loop3A_18  : i32 {
      %parallel_loop3A_43 = arith.constant 16 : i32
      %parallel_loop3A_44 = arith.muli %parallel_loop3A_42, %parallel_loop3A_43 : i32
      %parallel_loop3A_45 = arith.constant 64 : i32
      %parallel_loop3A_46 = arith.addi %parallel_loop3A_45, %parallel_loop3A_44 : i32
      %parallel_loop3A_47 = arith.index_cast %parallel_loop3A_46 : i32 to index
      %parallel_loop3A_48 = tpu.vector_load %arg10[%parallel_loop3A_47] {strides = array<i32>} : memref<192xi32, #tpu.memory_space<vmem>>, vector<16xi32>,
      %parallel_loop3A_49 = arith.constant 16 : i32
      %parallel_loop3A_50 = arith.muli %parallel_loop3A_42, %parallel_loop3A_49 : i32
      %parallel_loop3A_51 = arith.index_cast %parallel_loop3A_50 : i32 to index
      %parallel_loop3A_52 = tpu.vector_load %arg13[%parallel_loop3A_51] {strides = array<i32>} : memref<64xi32, #tpu.memory_space<vmem>>, vector<16xi32>,
      tpu.vector_store %arg13[%parallel_loop3A_51], %parallel_loop3A_48 {strides = array<i32>} : memref<64xi32, #tpu.memory_space<vmem>>, vector<16xi32>,
    } {sc.loop_unroll_factor = 4 : i64, sc.parallel_access}
    %dma_start3A_19 = arith.constant 0 : i32
    %dma_start3A_20 = arith.constant 0 : i32
    %dma_start3A_21 = tpu.memref_slice %arg4[%dma_start3A_19, %dma_start3A_20] : memref<2048x768xf32, #tpu.memory_space<hbm>> -> memref<2048x768xf32, #tpu.memory_space<hbm>>
    tpu.enqueue_indirect_dma source(%dma_start3A_21 : memref<2048x768xf32, #tpu.memory_space<hbm>>) target(%arg15 : memref<64x768xf32, #tpu.memory_space<vmem>>) offsets(%arg13 : memref<64xi32, #tpu.memory_space<vmem>>) semaphore(%arg16 : memref<!tpu.dma_semaphore, #tpu.memory_space<semaphore_mem>>)
    %dma_wait3A = arith.constant 0 : i32
    %dma_wait3A_22 = arith.constant 0 : i32
    %dma_wait3A_23 = tpu.memref_slice %arg4[%dma_wait3A, %dma_wait3A_22] : memref<2048x768xf32, #tpu.memory_space<hbm>> -> memref<2048x768xf32, #tpu.memory_space<hbm>>
    tpu.wait_indirect_dma semaphore(%arg16 : memref<!tpu.dma_semaphore, #tpu.memory_space<semaphore_mem>>) src(%dma_wait3A_23 : memref<2048x768xf32, #tpu.memory_space<hbm>>) dst(%arg14 : memref<64x768xf32, #tpu.memory_space<vmem>>)
    %add3A_24 = arith.constant 0 : i32
    %add3A_25 = arith.addi %mul3A_2, %add3A_24 : i32
    "tpu.region"() ({
      %run_scoped3A = tpu.sem_alloc : memref<!tpu.dma_semaphore, #tpu.memory_space<semaphore_mem>>
      %dma_start3A_42 = arith.constant 0 : i32
      %dma_start3A_43 = tpu.memref_slice %arg5[%add3A_25, %dma_start3A_42] : memref<6144x768xf32, #tpu.memory_space<hbm>> -> memref<64x768xf32, #tpu.memory_space<hbm>>
      %dma_start3A_44 = arith.constant 0 : i32
      %dma_start3A_45 = tpu.memref_slice %arg5[%add3A_25, %dma_start3A_44] : memref<6144x768xf32, #tpu.memory_space<hbm>> -> memref<64x768xf32, #tpu.memory_space<hbm>>
      tpu.enqueue_dma source(%arg14 : memref<64x768xf32, #tpu.memory_space<vmem>>) target(%dma_start3A_45 : memref<64x768xf32, #tpu.memory_space<hbm>>) target_semaphore(%run_scoped3A : memref<!tpu.dma_semaphore, #tpu.memory_space<semaphore_mem>>)
      %dma_wait3A_46 = arith.constant 0 : i32
      %dma_wait3A_47 = tpu.memref_slice %arg5[%add3A_25, %dma_wait3A_46] : memref<6144x768xf32, #tpu.memory_space<hbm>> -> memref<64x768xf32, #tpu.memory_space<hbm>>
      %dma_wait3A_48 = arith.constant 0 : i32
      %dma_wait3A_49 = tpu.memref_slice %arg5[%add3A_25, %dma_wait3A_48] : memref<6144x768xf32, #tpu.memory_space<hbm>> -> memref<64x768xf32, #tpu.memory_space<hbm>>
      tpu.wait_dma2 semaphore(%run_scoped3A : memref<!tpu.dma_semaphore, #tpu.memory_space<semaphore_mem>>) src(%arg14 : memref<64x768xf32, #tpu.memory_space<vmem>>) dst(%dma_wait3A_49 : memref<64x768xf32, #tpu.memory_space<hbm>>)
      tpu.yield
    }) : () -> ()
    %parallel_loop3A_26 = arith.constant 0 : i32
    %parallel_loop3A_27 = arith.constant 4 : i32
    %parallel_loop3A_28 = arith.constant 1 : i32
    scf.for %parallel_loop3A_42 = %parallel_loop3A_26 to %parallel_loop3A_27 step %parallel_loop3A_28  : i32 {
      %parallel_loop3A_43 = arith.constant 16 : i32
      %parallel_loop3A_44 = arith.muli %parallel_loop3A_42, %parallel_loop3A_43 : i32
      %parallel_loop3A_45 = arith.constant 128 : i32
      %parallel_loop3A_46 = arith.addi %parallel_loop3A_45, %parallel_loop3A_44 : i32
      %parallel_loop3A_47 = arith.index_cast %parallel_loop3A_46 : i32 to index
      %parallel_loop3A_48 = tpu.vector_load %arg10[%parallel_loop3A_47] {strides = array<i32>} : memref<192xi32, #tpu.memory_space<vmem>>, vector<16xi32>,
      %parallel_loop3A_49 = arith.constant 16 : i32
      %parallel_loop3A_50 = arith.muli %parallel_loop3A_42, %parallel_loop3A_49 : i32
      %parallel_loop3A_51 = arith.index_cast %parallel_loop3A_50 : i32 to index
      %parallel_loop3A_52 = tpu.vector_load %arg12[%parallel_loop3A_51] {strides = array<i32>} : memref<64xi32, #tpu.memory_space<vmem>>, vector<16xi32>,
      tpu.vector_store %arg12[%parallel_loop3A_51], %parallel_loop3A_48 {strides = array<i32>} : memref<64xi32, #tpu.memory_space<vmem>>, vector<16xi32>,
    } {sc.loop_unroll_factor = 4 : i64, sc.parallel_access}
    %dma_start3A_29 = arith.constant 0 : i32
    %dma_start3A_30 = arith.constant 0 : i32
    %dma_start3A_31 = tpu.memref_slice %arg4[%dma_start3A_29, %dma_start3A_30] : memref<2048x768xf32, #tpu.memory_space<hbm>> -> memref<2048x768xf32, #tpu.memory_space<hbm>>
    tpu.enqueue_indirect_dma source(%dma_start3A_31 : memref<2048x768xf32, #tpu.memory_space<hbm>>) target(%arg14 : memref<64x768xf32, #tpu.memory_space<vmem>>) offsets(%arg12 : memref<64xi32, #tpu.memory_space<vmem>>) semaphore(%arg16 : memref<!tpu.dma_semaphore, #tpu.memory_space<semaphore_mem>>)
    %dma_wait3A_32 = arith.constant 0 : i32
    %dma_wait3A_33 = arith.constant 0 : i32
    %dma_wait3A_34 = tpu.memref_slice %arg4[%dma_wait3A_32, %dma_wait3A_33] : memref<2048x768xf32, #tpu.memory_space<hbm>> -> memref<2048x768xf32, #tpu.memory_space<hbm>>
    tpu.wait_indirect_dma semaphore(%arg16 : memref<!tpu.dma_semaphore, #tpu.memory_space<semaphore_mem>>) src(%dma_wait3A_34 : memref<2048x768xf32, #tpu.memory_space<hbm>>) dst(%arg15 : memref<64x768xf32, #tpu.memory_space<vmem>>)
    %add3A_35 = arith.constant 64 : i32
    %add3A_36 = arith.addi %mul3A_2, %add3A_35 : i32
    "tpu.region"() ({
      %run_scoped3A = tpu.sem_alloc : memref<!tpu.dma_semaphore, #tpu.memory_space<semaphore_mem>>
      %dma_start3A_42 = arith.constant 0 : i32
      %dma_start3A_43 = tpu.memref_slice %arg5[%add3A_36, %dma_start3A_42] : memref<6144x768xf32, #tpu.memory_space<hbm>> -> memref<64x768xf32, #tpu.memory_space<hbm>>
      %dma_start3A_44 = arith.constant 0 : i32
      %dma_start3A_45 = tpu.memref_slice %arg5[%add3A_36, %dma_start3A_44] : memref<6144x768xf32, #tpu.memory_space<hbm>> -> memref<64x768xf32, #tpu.memory_space<hbm>>
      tpu.enqueue_dma source(%arg15 : memref<64x768xf32, #tpu.memory_space<vmem>>) target(%dma_start3A_45 : memref<64x768xf32, #tpu.memory_space<hbm>>) target_semaphore(%run_scoped3A : memref<!tpu.dma_semaphore, #tpu.memory_space<semaphore_mem>>)
      %dma_wait3A_46 = arith.constant 0 : i32
      %dma_wait3A_47 = tpu.memref_slice %arg5[%add3A_36, %dma_wait3A_46] : memref<6144x768xf32, #tpu.memory_space<hbm>> -> memref<64x768xf32, #tpu.memory_space<hbm>>
      %dma_wait3A_48 = arith.constant 0 : i32
      %dma_wait3A_49 = tpu.memref_slice %arg5[%add3A_36, %dma_wait3A_48] : memref<6144x768xf32, #tpu.memory_space<hbm>> -> memref<64x768xf32, #tpu.memory_space<hbm>>
      tpu.wait_dma2 semaphore(%run_scoped3A : memref<!tpu.dma_semaphore, #tpu.memory_space<semaphore_mem>>) src(%arg15 : memref<64x768xf32, #tpu.memory_space<vmem>>) dst(%dma_wait3A_49 : memref<64x768xf32, #tpu.memory_space<hbm>>)
      tpu.yield
    }) : () -> ()
    %dma_wait3A_37 = arith.constant 0 : i32
    %dma_wait3A_38 = arith.constant 0 : i32
    %dma_wait3A_39 = tpu.memref_slice %arg4[%dma_wait3A_37, %dma_wait3A_38] : memref<2048x768xf32, #tpu.memory_space<hbm>> -> memref<2048x768xf32, #tpu.memory_space<hbm>>
    tpu.wait_indirect_dma semaphore(%arg16 : memref<!tpu.dma_semaphore, #tpu.memory_space<semaphore_mem>>) src(%dma_wait3A_39 : memref<2048x768xf32, #tpu.memory_space<hbm>>) dst(%arg14 : memref<64x768xf32, #tpu.memory_space<vmem>>)
    %add3A_40 = arith.constant 128 : i32
    %add3A_41 = arith.addi %mul3A_2, %add3A_40 : i32
    "tpu.region"() ({
      %run_scoped3A = tpu.sem_alloc : memref<!tpu.dma_semaphore, #tpu.memory_space<semaphore_mem>>
      %dma_start3A_42 = arith.constant 0 : i32
      %dma_start3A_43 = tpu.memref_slice %arg5[%add3A_41, %dma_start3A_42] : memref<6144x768xf32, #tpu.memory_space<hbm>> -> memref<64x768xf32, #tpu.memory_space<hbm>>
      %dma_start3A_44 = arith.constant 0 : i32
      %dma_start3A_45 = tpu.memref_slice %arg5[%add3A_41, %dma_start3A_44] : memref<6144x768xf32, #tpu.memory_space<hbm>> -> memref<64x768xf32, #tpu.memory_space<hbm>>
      tpu.enqueue_dma source(%arg14 : memref<64x768xf32, #tpu.memory_space<vmem>>) target(%dma_start3A_45 : memref<64x768xf32, #tpu.memory_space<hbm>>) target_semaphore(%run_scoped3A : memref<!tpu.dma_semaphore, #tpu.memory_space<semaphore_mem>>)
      %dma_wait3A_46 = arith.constant 0 : i32
      %dma_wait3A_47 = tpu.memref_slice %arg5[%add3A_41, %dma_wait3A_46] : memref<6144x768xf32, #tpu.memory_space<hbm>> -> memref<64x768xf32, #tpu.memory_space<hbm>>
      %dma_wait3A_48 = arith.constant 0 : i32
      %dma_wait3A_49 = tpu.memref_slice %arg5[%add3A_41, %dma_wait3A_48] : memref<6144x768xf32, #tpu.memory_space<hbm>> -> memref<64x768xf32, #tpu.memory_space<hbm>>
      tpu.wait_dma2 semaphore(%run_scoped3A : memref<!tpu.dma_semaphore, #tpu.memory_space<semaphore_mem>>) src(%arg14 : memref<64x768xf32, #tpu.memory_space<vmem>>) dst(%dma_wait3A_49 : memref<64x768xf32, #tpu.memory_space<hbm>>)
      tpu.yield
    }) : () -> ()
    return
  }
}

module attributes {stable_mosaic.version = 14 : i64} {
  func.func @_k1_router(%arg0: i32, %arg1: memref<1x2048x768xf32, #tpu.memory_space<vmem>>, %arg2: memref<8x768xf32, #tpu.memory_space<vmem>>, %arg3: memref<4096x1xi32, #tpu.memory_space<vmem>>, %arg4: memref<4096x1xf32, #tpu.memory_space<vmem>>, %arg5: memref<1x8xi32, #tpu.memory_space<vmem>>, %arg6: memref<1x8xi32, #tpu.memory_space<vmem>>, %arg7: memref<1x16xi32, #tpu.memory_space<vmem>>, %arg8: memref<16x768xf32, #tpu.memory_space<vmem>>) attributes {dimension_semantics = [#tpu.dimension_semantics<arbitrary>], iteration_bounds = array<i64: 1>, scalar_prefetch = 0 : i64, scratch_operands = 0 : i64, tpu.core_type = #tpu.core_type<tc>, window_params = [{pipeline_mode = #tpu.pipeline_mode<synchronous>, transform_indices = @transform_0, window_bounds = array<i64: 1, 2048, 768>}, {pipeline_mode = #tpu.pipeline_mode<synchronous>, transform_indices = @transform_1, window_bounds = array<i64: 8, 768>}, {pipeline_mode = #tpu.pipeline_mode<synchronous>, transform_indices = @transform_2, window_bounds = array<i64: 4096, 1>}, {pipeline_mode = #tpu.pipeline_mode<synchronous>, transform_indices = @transform_3, window_bounds = array<i64: 4096, 1>}, {pipeline_mode = #tpu.pipeline_mode<synchronous>, transform_indices = @transform_4, window_bounds = array<i64: 1, 8>}, {pipeline_mode = #tpu.pipeline_mode<synchronous>, transform_indices = @transform_5, window_bounds = array<i64: 1, 8>}, {pipeline_mode = #tpu.pipeline_mode<synchronous>, transform_indices = @transform_6, window_bounds = array<i64: 1, 16>}, {pipeline_mode = #tpu.pipeline_mode<synchronous>, transform_indices = @transform_7, window_bounds = array<i64: 16, 768>}]} {
    %get3A = arith.constant 0 : index
    %get3A_0 = arith.constant 0 : index
    %get3A_1 = arith.constant 0 : index
    %get3A_2 = vector.load %arg1[%get3A, %get3A_0, %get3A_1] : memref<1x2048x768xf32, #tpu.memory_space<vmem>>, vector<1x2048x768xf32>
    %get3A_3 = vector.shape_cast %get3A_2 : vector<1x2048x768xf32> to vector<2048x768xf32>
    %convert_element_type3A = arith.truncf %get3A_3 : vector<2048x768xf32> to vector<2048x768xbf16>
    %get3A_4 = arith.constant 0 : index
    %get3A_5 = arith.constant 0 : index
    %get3A_6 = vector.load %arg2[%get3A_4, %get3A_5] : memref<8x768xf32, #tpu.memory_space<vmem>>, vector<8x768xf32>
    %transpose3A = tpu.transpose %get3A_6, [1, 0] : vector<8x768xf32> -> vector<768x8xf32>
    %convert_element_type3A_7 = arith.truncf %transpose3A : vector<768x8xf32> to vector<768x8xbf16>
    %dot_general3A = arith.constant dense<0.000000e+00> : vector<2048x8xf32>
    %dot_general3A_8 = tpu.matmul %convert_element_type3A, %convert_element_type3A_7, %dot_general3A {dimension_numbers = #tpu.dot_dimension_numbers<[1], [0], [0], [1], [0, 0, 1, 1], [], []>, transpose_lhs_hint = false} : vector<2048x768xbf16>, vector<768x8xbf16>, vector<2048x8xf32> -> vector<2048x8xf32>
    %reduce_max3A = arith.constant dense<0xFF800000> : vector<2048xf32>
    %reduce_max3A_9 = vector.multi_reduction <maximumf>, %dot_general3A_8, %reduce_max3A [1] : vector<2048x8xf32> to vector<2048xf32>
    %broadcast_in_dim3A = vector.shape_cast %reduce_max3A_9 : vector<2048xf32> to vector<2048x1xf32>
    %sub3A = vector.broadcast %broadcast_in_dim3A : vector<2048x1xf32> to vector<2048x8xf32>
    %sub3A_10 = arith.subf %dot_general3A_8, %sub3A : vector<2048x8xf32>
    %exp3A = math.exp %sub3A_10 : vector<2048x8xf32>
    %reduce_sum3A = arith.constant dense<0.000000e+00> : vector<2048xf32>
    %reduce_sum3A_11 = vector.multi_reduction <add>, %exp3A, %reduce_sum3A [1] : vector<2048x8xf32> to vector<2048xf32>
    %broadcast_in_dim3A_12 = vector.shape_cast %reduce_sum3A_11 : vector<2048xf32> to vector<2048x1xf32>
    %div3A = vector.broadcast %broadcast_in_dim3A_12 : vector<2048x1xf32> to vector<2048x8xf32>
    %div3A_13 = arith.divf %exp3A, %div3A : vector<2048x8xf32>
    %iota3A = tpu.iota {dimensions = array<i32: 1>} : vector<2048x8xi32>
    %reduce_max3A_14 = arith.constant dense<0xFF800000> : vector<2048xf32>
    %reduce_max3A_15 = vector.multi_reduction <maximumf>, %div3A_13, %reduce_max3A_14 [1] : vector<2048x8xf32> to vector<2048xf32>
    %broadcast_in_dim3A_16 = vector.shape_cast %reduce_max3A_15 : vector<2048xf32> to vector<2048x1xf32>
    %ge3A = vector.broadcast %broadcast_in_dim3A_16 : vector<2048x1xf32> to vector<2048x8xf32>
    %ge3A_17 = arith.cmpf oge, %div3A_13, %ge3A : vector<2048x8xf32>
    %jit3A = arith.constant 8 : i32
    %broadcast_in_dim3A_18 = vector.broadcast %jit3A : i32 to vector<2048x8xi32>
    %select_n3A = arith.select %ge3A_17, %iota3A, %broadcast_in_dim3A_18 : vector<2048x8xi1>, vector<2048x8xi32>
    %reduce_min3A = arith.constant dense<2147483647> : vector<2048xi32>
    %reduce_min3A_19 = vector.multi_reduction <minsi>, %select_n3A, %reduce_min3A [1] : vector<2048x8xi32> to vector<2048xi32>
    %broadcast_in_dim3A_20 = vector.shape_cast %reduce_min3A_19 : vector<2048xi32> to vector<2048x1xi32>
    %eq3A = vector.broadcast %broadcast_in_dim3A_20 : vector<2048x1xi32> to vector<2048x8xi32>
    %eq3A_21 = arith.cmpi eq, %iota3A, %eq3A : vector<2048x8xi32>
    %jit3A_22 = arith.constant -1.000000e+00 : f32
    %broadcast_in_dim3A_23 = vector.broadcast %jit3A_22 : f32 to vector<2048x8xf32>
    %select_n3A_24 = arith.select %eq3A_21, %broadcast_in_dim3A_23, %div3A_13 : vector<2048x8xi1>, vector<2048x8xf32>
    %reduce_max3A_25 = arith.constant dense<0xFF800000> : vector<2048xf32>
    %reduce_max3A_26 = vector.multi_reduction <maximumf>, %select_n3A_24, %reduce_max3A_25 [1] : vector<2048x8xf32> to vector<2048xf32>
    %broadcast_in_dim3A_27 = vector.shape_cast %reduce_max3A_26 : vector<2048xf32> to vector<2048x1xf32>
    %ge3A_28 = vector.broadcast %broadcast_in_dim3A_27 : vector<2048x1xf32> to vector<2048x8xf32>
    %ge3A_29 = arith.cmpf oge, %select_n3A_24, %ge3A_28 : vector<2048x8xf32>
    %jit3A_30 = arith.constant 8 : i32
    %broadcast_in_dim3A_31 = vector.broadcast %jit3A_30 : i32 to vector<2048x8xi32>
    %select_n3A_32 = arith.select %ge3A_29, %iota3A, %broadcast_in_dim3A_31 : vector<2048x8xi1>, vector<2048x8xi32>
    %reduce_min3A_33 = arith.constant dense<2147483647> : vector<2048xi32>
    %reduce_min3A_34 = vector.multi_reduction <minsi>, %select_n3A_32, %reduce_min3A_33 [1] : vector<2048x8xi32> to vector<2048xi32>
    %broadcast_in_dim3A_35 = vector.shape_cast %reduce_min3A_34 : vector<2048xi32> to vector<2048x1xi32>
    %add3A = arith.addf %broadcast_in_dim3A_16, %broadcast_in_dim3A_27 : vector<2048x1xf32>
    %add3A_36 = arith.constant 9.99999993E-9 : f32
    %add3A_37 = vector.broadcast %add3A_36 : f32 to vector<2048x1xf32>
    %add3A_38 = arith.addf %add3A, %add3A_37 : vector<2048x1xf32>
    %div3A_39 = arith.divf %broadcast_in_dim3A_16, %add3A_38 : vector<2048x1xf32>
    %swap3A = arith.constant 0 : index
    %swap3A_40 = arith.constant 0 : index
    %swap3A_41 = vector.load %arg4[%swap3A, %swap3A_40] : memref<4096x1xf32, #tpu.memory_space<vmem>>, vector<2048x1xf32>
    tpu.vector_store %arg4[%swap3A, %swap3A_40], %div3A_39 {strides = array<i32>} : memref<4096x1xf32, #tpu.memory_space<vmem>>, vector<2048x1xf32>,
    %div3A_42 = arith.divf %broadcast_in_dim3A_27, %add3A_38 : vector<2048x1xf32>
    %swap3A_43 = arith.constant 2048 : index
    %swap3A_44 = arith.constant 0 : index
    %swap3A_45 = vector.load %arg4[%swap3A_43, %swap3A_44] : memref<4096x1xf32, #tpu.memory_space<vmem>>, vector<2048x1xf32>
    tpu.vector_store %arg4[%swap3A_43, %swap3A_44], %div3A_42 {strides = array<i32>} : memref<4096x1xf32, #tpu.memory_space<vmem>>, vector<2048x1xf32>,
    %broadcast_in_dim3A_46 = arith.constant 0.000000e+00 : f32
    %broadcast_in_dim3A_47 = vector.broadcast %broadcast_in_dim3A_46 : f32 to vector<16x768xf32>
    %swap3A_48 = arith.constant 0 : index
    %swap3A_49 = arith.constant 0 : index
    %swap3A_50 = vector.load %arg8[%swap3A_48, %swap3A_49] : memref<16x768xf32, #tpu.memory_space<vmem>>, vector<16x768xf32>
    tpu.vector_store %arg8[%swap3A_48, %swap3A_49], %broadcast_in_dim3A_47 {strides = array<i32>} : memref<16x768xf32, #tpu.memory_space<vmem>>, vector<16x768xf32>,
    %iota3A_51 = tpu.iota {dimensions = array<i32: 1>} : vector<2048x8xi32>
    %eq3A_52 = vector.broadcast %broadcast_in_dim3A_20 : vector<2048x1xi32> to vector<2048x8xi32>
    %eq3A_53 = arith.cmpi eq, %iota3A_51, %eq3A_52 : vector<2048x8xi32>
    %convert_element_type3A_54 = arith.extui %eq3A_53 : vector<2048x8xi1> to vector<2048x8xi32>
    %convert_element_type3A_55 = arith.sitofp %convert_element_type3A_54 : vector<2048x8xi32> to vector<2048x8xf32>
    %eq3A_56 = vector.broadcast %broadcast_in_dim3A_35 : vector<2048x1xi32> to vector<2048x8xi32>
    %eq3A_57 = arith.cmpi eq, %iota3A_51, %eq3A_56 : vector<2048x8xi32>
    %convert_element_type3A_58 = arith.extui %eq3A_57 : vector<2048x8xi1> to vector<2048x8xi32>
    %convert_element_type3A_59 = arith.sitofp %convert_element_type3A_58 : vector<2048x8xi32> to vector<2048x8xf32>
    %reduce_sum3A_60 = arith.constant dense<0.000000e+00> : vector<8xf32>
    %reduce_sum3A_61 = vector.multi_reduction <add>, %convert_element_type3A_55, %reduce_sum3A_60 [0] : vector<2048x8xf32> to vector<8xf32>
    %broadcast_in_dim3A_62 = vector.shape_cast %reduce_sum3A_61 : vector<8xf32> to vector<1x8xf32>
    %reduce_sum3A_63 = arith.constant dense<0.000000e+00> : vector<8xf32>
    %reduce_sum3A_64 = vector.multi_reduction <add>, %convert_element_type3A_59, %reduce_sum3A_63 [0] : vector<2048x8xf32> to vector<8xf32>
    %broadcast_in_dim3A_65 = vector.shape_cast %reduce_sum3A_64 : vector<8xf32> to vector<1x8xf32>
    %add3A_66 = arith.addf %broadcast_in_dim3A_62, %broadcast_in_dim3A_65 : vector<1x8xf32>
    %div3A_67 = arith.constant 2.560000e+02 : f32
    %div3A_68 = vector.broadcast %div3A_67 : f32 to vector<1x8xf32>
    %div3A_69 = arith.divf %add3A_66, %div3A_68 : vector<1x8xf32>
    %ceil3A = math.ceil %div3A_69 : vector<1x8xf32>
    %max3A = arith.constant 1.000000e+00 : f32
    %max3A_70 = vector.broadcast %max3A : f32 to vector<1x8xf32>
    %max3A_71 = arith.maximumf %max3A_70, %ceil3A : vector<1x8xf32>
    %iota3A_72 = tpu.iota {dimensions = array<i32: 0>} : vector<8x8xi32>
    %iota3A_73 = tpu.iota {dimensions = array<i32: 1>} : vector<8x8xi32>
    %lt3A = arith.cmpi slt, %iota3A_72, %iota3A_73 : vector<8x8xi32>
    %convert_element_type3A_74 = arith.extui %lt3A : vector<8x8xi1> to vector<8x8xi32>
    %convert_element_type3A_75 = arith.sitofp %convert_element_type3A_74 : vector<8x8xi32> to vector<8x8xf32>
    %dot_general3A_76 = arith.constant dense<0.000000e+00> : vector<1x8xf32>
    %dot_general3A_77 = tpu.matmul %max3A_71, %convert_element_type3A_75, %dot_general3A_76 {dimension_numbers = #tpu.dot_dimension_numbers<[1], [0], [0], [1], [0, 0, 1, 1], [], []>, precision = #tpu.contract_precision<fp32>, transpose_lhs_hint = false} : vector<1x8xf32>, vector<8x8xf32>, vector<1x8xf32> -> vector<1x8xf32>
    %mul3A = arith.constant 2.560000e+02 : f32
    %mul3A_78 = vector.broadcast %mul3A : f32 to vector<1x8xf32>
    %mul3A_79 = arith.mulf %dot_general3A_77, %mul3A_78 : vector<1x8xf32>
    %convert_element_type3A_80 = arith.fptosi %max3A_71 : vector<1x8xf32> to vector<1x8xi32>
    %swap3A_81 = arith.constant 0 : index
    %swap3A_82 = arith.constant 0 : index
    %swap3A_83 = vector.load %arg5[%swap3A_81, %swap3A_82] : memref<1x8xi32, #tpu.memory_space<vmem>>, vector<1x8xi32>
    tpu.vector_store %arg5[%swap3A_81, %swap3A_82], %convert_element_type3A_80 {strides = array<i32>} : memref<1x8xi32, #tpu.memory_space<vmem>>, vector<1x8xi32>,
    %convert_element_type3A_84 = arith.fptosi %dot_general3A_77 : vector<1x8xf32> to vector<1x8xi32>
    %swap3A_85 = arith.constant 0 : index
    %swap3A_86 = arith.constant 0 : index
    %swap3A_87 = vector.load %arg6[%swap3A_85, %swap3A_86] : memref<1x8xi32, #tpu.memory_space<vmem>>, vector<1x8xi32>
    tpu.vector_store %arg6[%swap3A_85, %swap3A_86], %convert_element_type3A_84 {strides = array<i32>} : memref<1x8xi32, #tpu.memory_space<vmem>>, vector<1x8xi32>,
    %convert_element_type3A_88 = arith.fptosi %dot_general3A_77 : vector<1x8xf32> to vector<1x8xi32>
    %convert_element_type3A_89 = arith.fptosi %max3A_71 : vector<1x8xf32> to vector<1x8xi32>
    %concatenate3A = tpu.concatenate %convert_element_type3A_88, %convert_element_type3A_89 in 1 : vector<1x8xi32>, vector<1x8xi32> -> vector<1x16xi32>
    %swap3A_90 = arith.constant 0 : index
    %swap3A_91 = arith.constant 0 : index
    %swap3A_92 = vector.load %arg7[%swap3A_90, %swap3A_91] : memref<1x16xi32, #tpu.memory_space<vmem>>, vector<1x16xi32>
    tpu.vector_store %arg7[%swap3A_90, %swap3A_91], %concatenate3A {strides = array<i32>} : memref<1x16xi32, #tpu.memory_space<vmem>>, vector<1x16xi32>,
    %iota3A_93 = tpu.iota {dimensions = array<i32: 0>} : vector<512x512xi32>
    %iota3A_94 = tpu.iota {dimensions = array<i32: 1>} : vector<512x512xi32>
    %lt3A_95 = arith.cmpi slt, %iota3A_94, %iota3A_93 : vector<512x512xi32>
    %convert_element_type3A_96 = arith.extui %lt3A_95 : vector<512x512xi1> to vector<512x512xi32>
    %convert_element_type3A_97 = arith.sitofp %convert_element_type3A_96 : vector<512x512xi32> to vector<512x512xf32>
    %broadcast_in_dim3A_98 = arith.constant 0.000000e+00 : f32
    %broadcast_in_dim3A_99 = vector.broadcast %broadcast_in_dim3A_98 : f32 to vector<1x8xf32>
    %slice3A = vector.extract_strided_slice %broadcast_in_dim3A_20 {offsets = [0, 0], sizes = [512, 1], strides = [1, 1]} : vector<2048x1xi32> to vector<512x1xi32>
    %iota3A_100 = tpu.iota {dimensions = array<i32: 1>} : vector<512x8xi32>
    %eq3A_101 = vector.broadcast %slice3A : vector<512x1xi32> to vector<512x8xi32>
    %eq3A_102 = arith.cmpi eq, %iota3A_100, %eq3A_101 : vector<512x8xi32>
    %convert_element_type3A_103 = arith.extui %eq3A_102 : vector<512x8xi1> to vector<512x8xi32>
    %convert_element_type3A_104 = arith.sitofp %convert_element_type3A_103 : vector<512x8xi32> to vector<512x8xf32>
    %dot_general3A_105 = arith.constant dense<0.000000e+00> : vector<512x8xf32>
    %dot_general3A_106 = tpu.matmul %convert_element_type3A_97, %convert_element_type3A_104, %dot_general3A_105 {dimension_numbers = #tpu.dot_dimension_numbers<[1], [0], [0], [1], [0, 0, 1, 1], [], []>, precision = #tpu.contract_precision<fp32>, transpose_lhs_hint = false} : vector<512x512xf32>, vector<512x8xf32>, vector<512x8xf32> -> vector<512x8xf32>
    %add3A_107 = vector.broadcast %broadcast_in_dim3A_99 : vector<1x8xf32> to vector<512x8xf32>
    %add3A_108 = arith.addf %dot_general3A_106, %add3A_107 : vector<512x8xf32>
    %reduce_sum3A_109 = arith.constant dense<0.000000e+00> : vector<8xf32>
    %reduce_sum3A_110 = vector.multi_reduction <add>, %convert_element_type3A_104, %reduce_sum3A_109 [0] : vector<512x8xf32> to vector<8xf32>
    %broadcast_in_dim3A_111 = vector.shape_cast %reduce_sum3A_110 : vector<8xf32> to vector<1x8xf32>
    %add3A_112 = arith.addf %broadcast_in_dim3A_99, %broadcast_in_dim3A_111 : vector<1x8xf32>
    %add3A_113 = vector.broadcast %mul3A_79 : vector<1x8xf32> to vector<512x8xf32>
    %add3A_114 = arith.addf %add3A_113, %add3A_108 : vector<512x8xf32>
    %mul3A_115 = arith.mulf %convert_element_type3A_104, %add3A_114 : vector<512x8xf32>
    %reduce_sum3A_116 = arith.constant dense<0.000000e+00> : vector<512xf32>
    %reduce_sum3A_117 = vector.multi_reduction <add>, %mul3A_115, %reduce_sum3A_116 [1] : vector<512x8xf32> to vector<512xf32>
    %broadcast_in_dim3A_118 = vector.shape_cast %reduce_sum3A_117 : vector<512xf32> to vector<512x1xf32>
    %convert_element_type3A_119 = arith.fptosi %broadcast_in_dim3A_118 : vector<512x1xf32> to vector<512x1xi32>
    %swap3A_120 = arith.constant 0 : index
    %swap3A_121 = arith.constant 0 : index
    %swap3A_122 = vector.load %arg3[%swap3A_120, %swap3A_121] : memref<4096x1xi32, #tpu.memory_space<vmem>>, vector<512x1xi32>
    tpu.vector_store %arg3[%swap3A_120, %swap3A_121], %convert_element_type3A_119 {strides = array<i32>} : memref<4096x1xi32, #tpu.memory_space<vmem>>, vector<512x1xi32>,
    %slice3A_123 = vector.extract_strided_slice %broadcast_in_dim3A_20 {offsets = [512, 0], sizes = [512, 1], strides = [1, 1]} : vector<2048x1xi32> to vector<512x1xi32>
    %iota3A_124 = tpu.iota {dimensions = array<i32: 1>} : vector<512x8xi32>
    %eq3A_125 = vector.broadcast %slice3A_123 : vector<512x1xi32> to vector<512x8xi32>
    %eq3A_126 = arith.cmpi eq, %iota3A_124, %eq3A_125 : vector<512x8xi32>
    %convert_element_type3A_127 = arith.extui %eq3A_126 : vector<512x8xi1> to vector<512x8xi32>
    %convert_element_type3A_128 = arith.sitofp %convert_element_type3A_127 : vector<512x8xi32> to vector<512x8xf32>
    %dot_general3A_129 = arith.constant dense<0.000000e+00> : vector<512x8xf32>
    %dot_general3A_130 = tpu.matmul %convert_element_type3A_97, %convert_element_type3A_128, %dot_general3A_129 {dimension_numbers = #tpu.dot_dimension_numbers<[1], [0], [0], [1], [0, 0, 1, 1], [], []>, precision = #tpu.contract_precision<fp32>, transpose_lhs_hint = false} : vector<512x512xf32>, vector<512x8xf32>, vector<512x8xf32> -> vector<512x8xf32>
    %add3A_131 = vector.broadcast %add3A_112 : vector<1x8xf32> to vector<512x8xf32>
    %add3A_132 = arith.addf %dot_general3A_130, %add3A_131 : vector<512x8xf32>
    %reduce_sum3A_133 = arith.constant dense<0.000000e+00> : vector<8xf32>
    %reduce_sum3A_134 = vector.multi_reduction <add>, %convert_element_type3A_128, %reduce_sum3A_133 [0] : vector<512x8xf32> to vector<8xf32>
    %broadcast_in_dim3A_135 = vector.shape_cast %reduce_sum3A_134 : vector<8xf32> to vector<1x8xf32>
    %add3A_136 = arith.addf %add3A_112, %broadcast_in_dim3A_135 : vector<1x8xf32>
    %add3A_137 = vector.broadcast %mul3A_79 : vector<1x8xf32> to vector<512x8xf32>
    %add3A_138 = arith.addf %add3A_137, %add3A_132 : vector<512x8xf32>
    %mul3A_139 = arith.mulf %convert_element_type3A_128, %add3A_138 : vector<512x8xf32>
    %reduce_sum3A_140 = arith.constant dense<0.000000e+00> : vector<512xf32>
    %reduce_sum3A_141 = vector.multi_reduction <add>, %mul3A_139, %reduce_sum3A_140 [1] : vector<512x8xf32> to vector<512xf32>
    %broadcast_in_dim3A_142 = vector.shape_cast %reduce_sum3A_141 : vector<512xf32> to vector<512x1xf32>
    %convert_element_type3A_143 = arith.fptosi %broadcast_in_dim3A_142 : vector<512x1xf32> to vector<512x1xi32>
    %swap3A_144 = arith.constant 512 : index
    %swap3A_145 = arith.constant 0 : index
    %swap3A_146 = vector.load %arg3[%swap3A_144, %swap3A_145] : memref<4096x1xi32, #tpu.memory_space<vmem>>, vector<512x1xi32>
    tpu.vector_store %arg3[%swap3A_144, %swap3A_145], %convert_element_type3A_143 {strides = array<i32>} : memref<4096x1xi32, #tpu.memory_space<vmem>>, vector<512x1xi32>,
    %slice3A_147 = vector.extract_strided_slice %broadcast_in_dim3A_20 {offsets = [1024, 0], sizes = [512, 1], strides = [1, 1]} : vector<2048x1xi32> to vector<512x1xi32>
    %iota3A_148 = tpu.iota {dimensions = array<i32: 1>} : vector<512x8xi32>
    %eq3A_149 = vector.broadcast %slice3A_147 : vector<512x1xi32> to vector<512x8xi32>
    %eq3A_150 = arith.cmpi eq, %iota3A_148, %eq3A_149 : vector<512x8xi32>
    %convert_element_type3A_151 = arith.extui %eq3A_150 : vector<512x8xi1> to vector<512x8xi32>
    %convert_element_type3A_152 = arith.sitofp %convert_element_type3A_151 : vector<512x8xi32> to vector<512x8xf32>
    %dot_general3A_153 = arith.constant dense<0.000000e+00> : vector<512x8xf32>
    %dot_general3A_154 = tpu.matmul %convert_element_type3A_97, %convert_element_type3A_152, %dot_general3A_153 {dimension_numbers = #tpu.dot_dimension_numbers<[1], [0], [0], [1], [0, 0, 1, 1], [], []>, precision = #tpu.contract_precision<fp32>, transpose_lhs_hint = false} : vector<512x512xf32>, vector<512x8xf32>, vector<512x8xf32> -> vector<512x8xf32>
    %add3A_155 = vector.broadcast %add3A_136 : vector<1x8xf32> to vector<512x8xf32>
    %add3A_156 = arith.addf %dot_general3A_154, %add3A_155 : vector<512x8xf32>
    %reduce_sum3A_157 = arith.constant dense<0.000000e+00> : vector<8xf32>
    %reduce_sum3A_158 = vector.multi_reduction <add>, %convert_element_type3A_152, %reduce_sum3A_157 [0] : vector<512x8xf32> to vector<8xf32>
    %broadcast_in_dim3A_159 = vector.shape_cast %reduce_sum3A_158 : vector<8xf32> to vector<1x8xf32>
    %add3A_160 = arith.addf %add3A_136, %broadcast_in_dim3A_159 : vector<1x8xf32>
    %add3A_161 = vector.broadcast %mul3A_79 : vector<1x8xf32> to vector<512x8xf32>
    %add3A_162 = arith.addf %add3A_161, %add3A_156 : vector<512x8xf32>
    %mul3A_163 = arith.mulf %convert_element_type3A_152, %add3A_162 : vector<512x8xf32>
    %reduce_sum3A_164 = arith.constant dense<0.000000e+00> : vector<512xf32>
    %reduce_sum3A_165 = vector.multi_reduction <add>, %mul3A_163, %reduce_sum3A_164 [1] : vector<512x8xf32> to vector<512xf32>
    %broadcast_in_dim3A_166 = vector.shape_cast %reduce_sum3A_165 : vector<512xf32> to vector<512x1xf32>
    %convert_element_type3A_167 = arith.fptosi %broadcast_in_dim3A_166 : vector<512x1xf32> to vector<512x1xi32>
    %swap3A_168 = arith.constant 1024 : index
    %swap3A_169 = arith.constant 0 : index
    %swap3A_170 = vector.load %arg3[%swap3A_168, %swap3A_169] : memref<4096x1xi32, #tpu.memory_space<vmem>>, vector<512x1xi32>
    tpu.vector_store %arg3[%swap3A_168, %swap3A_169], %convert_element_type3A_167 {strides = array<i32>} : memref<4096x1xi32, #tpu.memory_space<vmem>>, vector<512x1xi32>,
    %slice3A_171 = vector.extract_strided_slice %broadcast_in_dim3A_20 {offsets = [1536, 0], sizes = [512, 1], strides = [1, 1]} : vector<2048x1xi32> to vector<512x1xi32>
    %iota3A_172 = tpu.iota {dimensions = array<i32: 1>} : vector<512x8xi32>
    %eq3A_173 = vector.broadcast %slice3A_171 : vector<512x1xi32> to vector<512x8xi32>
    %eq3A_174 = arith.cmpi eq, %iota3A_172, %eq3A_173 : vector<512x8xi32>
    %convert_element_type3A_175 = arith.extui %eq3A_174 : vector<512x8xi1> to vector<512x8xi32>
    %convert_element_type3A_176 = arith.sitofp %convert_element_type3A_175 : vector<512x8xi32> to vector<512x8xf32>
    %dot_general3A_177 = arith.constant dense<0.000000e+00> : vector<512x8xf32>
    %dot_general3A_178 = tpu.matmul %convert_element_type3A_97, %convert_element_type3A_176, %dot_general3A_177 {dimension_numbers = #tpu.dot_dimension_numbers<[1], [0], [0], [1], [0, 0, 1, 1], [], []>, precision = #tpu.contract_precision<fp32>, transpose_lhs_hint = false} : vector<512x512xf32>, vector<512x8xf32>, vector<512x8xf32> -> vector<512x8xf32>
    %add3A_179 = vector.broadcast %add3A_160 : vector<1x8xf32> to vector<512x8xf32>
    %add3A_180 = arith.addf %dot_general3A_178, %add3A_179 : vector<512x8xf32>
    %reduce_sum3A_181 = arith.constant dense<0.000000e+00> : vector<8xf32>
    %reduce_sum3A_182 = vector.multi_reduction <add>, %convert_element_type3A_176, %reduce_sum3A_181 [0] : vector<512x8xf32> to vector<8xf32>
    %broadcast_in_dim3A_183 = vector.shape_cast %reduce_sum3A_182 : vector<8xf32> to vector<1x8xf32>
    %add3A_184 = arith.addf %add3A_160, %broadcast_in_dim3A_183 : vector<1x8xf32>
    %add3A_185 = vector.broadcast %mul3A_79 : vector<1x8xf32> to vector<512x8xf32>
    %add3A_186 = arith.addf %add3A_185, %add3A_180 : vector<512x8xf32>
    %mul3A_187 = arith.mulf %convert_element_type3A_176, %add3A_186 : vector<512x8xf32>
    %reduce_sum3A_188 = arith.constant dense<0.000000e+00> : vector<512xf32>
    %reduce_sum3A_189 = vector.multi_reduction <add>, %mul3A_187, %reduce_sum3A_188 [1] : vector<512x8xf32> to vector<512xf32>
    %broadcast_in_dim3A_190 = vector.shape_cast %reduce_sum3A_189 : vector<512xf32> to vector<512x1xf32>
    %convert_element_type3A_191 = arith.fptosi %broadcast_in_dim3A_190 : vector<512x1xf32> to vector<512x1xi32>
    %swap3A_192 = arith.constant 1536 : index
    %swap3A_193 = arith.constant 0 : index
    %swap3A_194 = vector.load %arg3[%swap3A_192, %swap3A_193] : memref<4096x1xi32, #tpu.memory_space<vmem>>, vector<512x1xi32>
    tpu.vector_store %arg3[%swap3A_192, %swap3A_193], %convert_element_type3A_191 {strides = array<i32>} : memref<4096x1xi32, #tpu.memory_space<vmem>>, vector<512x1xi32>,
    %slice3A_195 = vector.extract_strided_slice %broadcast_in_dim3A_35 {offsets = [0, 0], sizes = [512, 1], strides = [1, 1]} : vector<2048x1xi32> to vector<512x1xi32>
    %iota3A_196 = tpu.iota {dimensions = array<i32: 1>} : vector<512x8xi32>
    %eq3A_197 = vector.broadcast %slice3A_195 : vector<512x1xi32> to vector<512x8xi32>
    %eq3A_198 = arith.cmpi eq, %iota3A_196, %eq3A_197 : vector<512x8xi32>
    %convert_element_type3A_199 = arith.extui %eq3A_198 : vector<512x8xi1> to vector<512x8xi32>
    %convert_element_type3A_200 = arith.sitofp %convert_element_type3A_199 : vector<512x8xi32> to vector<512x8xf32>
    %dot_general3A_201 = arith.constant dense<0.000000e+00> : vector<512x8xf32>
    %dot_general3A_202 = tpu.matmul %convert_element_type3A_97, %convert_element_type3A_200, %dot_general3A_201 {dimension_numbers = #tpu.dot_dimension_numbers<[1], [0], [0], [1], [0, 0, 1, 1], [], []>, precision = #tpu.contract_precision<fp32>, transpose_lhs_hint = false} : vector<512x512xf32>, vector<512x8xf32>, vector<512x8xf32> -> vector<512x8xf32>
    %add3A_203 = vector.broadcast %add3A_184 : vector<1x8xf32> to vector<512x8xf32>
    %add3A_204 = arith.addf %dot_general3A_202, %add3A_203 : vector<512x8xf32>
    %reduce_sum3A_205 = arith.constant dense<0.000000e+00> : vector<8xf32>
    %reduce_sum3A_206 = vector.multi_reduction <add>, %convert_element_type3A_200, %reduce_sum3A_205 [0] : vector<512x8xf32> to vector<8xf32>
    %broadcast_in_dim3A_207 = vector.shape_cast %reduce_sum3A_206 : vector<8xf32> to vector<1x8xf32>
    %add3A_208 = arith.addf %add3A_184, %broadcast_in_dim3A_207 : vector<1x8xf32>
    %add3A_209 = vector.broadcast %mul3A_79 : vector<1x8xf32> to vector<512x8xf32>
    %add3A_210 = arith.addf %add3A_209, %add3A_204 : vector<512x8xf32>
    %mul3A_211 = arith.mulf %convert_element_type3A_200, %add3A_210 : vector<512x8xf32>
    %reduce_sum3A_212 = arith.constant dense<0.000000e+00> : vector<512xf32>
    %reduce_sum3A_213 = vector.multi_reduction <add>, %mul3A_211, %reduce_sum3A_212 [1] : vector<512x8xf32> to vector<512xf32>
    %broadcast_in_dim3A_214 = vector.shape_cast %reduce_sum3A_213 : vector<512xf32> to vector<512x1xf32>
    %convert_element_type3A_215 = arith.fptosi %broadcast_in_dim3A_214 : vector<512x1xf32> to vector<512x1xi32>
    %swap3A_216 = arith.constant 2048 : index
    %swap3A_217 = arith.constant 0 : index
    %swap3A_218 = vector.load %arg3[%swap3A_216, %swap3A_217] : memref<4096x1xi32, #tpu.memory_space<vmem>>, vector<512x1xi32>
    tpu.vector_store %arg3[%swap3A_216, %swap3A_217], %convert_element_type3A_215 {strides = array<i32>} : memref<4096x1xi32, #tpu.memory_space<vmem>>, vector<512x1xi32>,
    %slice3A_219 = vector.extract_strided_slice %broadcast_in_dim3A_35 {offsets = [512, 0], sizes = [512, 1], strides = [1, 1]} : vector<2048x1xi32> to vector<512x1xi32>
    %iota3A_220 = tpu.iota {dimensions = array<i32: 1>} : vector<512x8xi32>
    %eq3A_221 = vector.broadcast %slice3A_219 : vector<512x1xi32> to vector<512x8xi32>
    %eq3A_222 = arith.cmpi eq, %iota3A_220, %eq3A_221 : vector<512x8xi32>
    %convert_element_type3A_223 = arith.extui %eq3A_222 : vector<512x8xi1> to vector<512x8xi32>
    %convert_element_type3A_224 = arith.sitofp %convert_element_type3A_223 : vector<512x8xi32> to vector<512x8xf32>
    %dot_general3A_225 = arith.constant dense<0.000000e+00> : vector<512x8xf32>
    %dot_general3A_226 = tpu.matmul %convert_element_type3A_97, %convert_element_type3A_224, %dot_general3A_225 {dimension_numbers = #tpu.dot_dimension_numbers<[1], [0], [0], [1], [0, 0, 1, 1], [], []>, precision = #tpu.contract_precision<fp32>, transpose_lhs_hint = false} : vector<512x512xf32>, vector<512x8xf32>, vector<512x8xf32> -> vector<512x8xf32>
    %add3A_227 = vector.broadcast %add3A_208 : vector<1x8xf32> to vector<512x8xf32>
    %add3A_228 = arith.addf %dot_general3A_226, %add3A_227 : vector<512x8xf32>
    %reduce_sum3A_229 = arith.constant dense<0.000000e+00> : vector<8xf32>
    %reduce_sum3A_230 = vector.multi_reduction <add>, %convert_element_type3A_224, %reduce_sum3A_229 [0] : vector<512x8xf32> to vector<8xf32>
    %broadcast_in_dim3A_231 = vector.shape_cast %reduce_sum3A_230 : vector<8xf32> to vector<1x8xf32>
    %add3A_232 = arith.addf %add3A_208, %broadcast_in_dim3A_231 : vector<1x8xf32>
    %add3A_233 = vector.broadcast %mul3A_79 : vector<1x8xf32> to vector<512x8xf32>
    %add3A_234 = arith.addf %add3A_233, %add3A_228 : vector<512x8xf32>
    %mul3A_235 = arith.mulf %convert_element_type3A_224, %add3A_234 : vector<512x8xf32>
    %reduce_sum3A_236 = arith.constant dense<0.000000e+00> : vector<512xf32>
    %reduce_sum3A_237 = vector.multi_reduction <add>, %mul3A_235, %reduce_sum3A_236 [1] : vector<512x8xf32> to vector<512xf32>
    %broadcast_in_dim3A_238 = vector.shape_cast %reduce_sum3A_237 : vector<512xf32> to vector<512x1xf32>
    %convert_element_type3A_239 = arith.fptosi %broadcast_in_dim3A_238 : vector<512x1xf32> to vector<512x1xi32>
    %swap3A_240 = arith.constant 2560 : index
    %swap3A_241 = arith.constant 0 : index
    %swap3A_242 = vector.load %arg3[%swap3A_240, %swap3A_241] : memref<4096x1xi32, #tpu.memory_space<vmem>>, vector<512x1xi32>
    tpu.vector_store %arg3[%swap3A_240, %swap3A_241], %convert_element_type3A_239 {strides = array<i32>} : memref<4096x1xi32, #tpu.memory_space<vmem>>, vector<512x1xi32>,
    %slice3A_243 = vector.extract_strided_slice %broadcast_in_dim3A_35 {offsets = [1024, 0], sizes = [512, 1], strides = [1, 1]} : vector<2048x1xi32> to vector<512x1xi32>
    %iota3A_244 = tpu.iota {dimensions = array<i32: 1>} : vector<512x8xi32>
    %eq3A_245 = vector.broadcast %slice3A_243 : vector<512x1xi32> to vector<512x8xi32>
    %eq3A_246 = arith.cmpi eq, %iota3A_244, %eq3A_245 : vector<512x8xi32>
    %convert_element_type3A_247 = arith.extui %eq3A_246 : vector<512x8xi1> to vector<512x8xi32>
    %convert_element_type3A_248 = arith.sitofp %convert_element_type3A_247 : vector<512x8xi32> to vector<512x8xf32>
    %dot_general3A_249 = arith.constant dense<0.000000e+00> : vector<512x8xf32>
    %dot_general3A_250 = tpu.matmul %convert_element_type3A_97, %convert_element_type3A_248, %dot_general3A_249 {dimension_numbers = #tpu.dot_dimension_numbers<[1], [0], [0], [1], [0, 0, 1, 1], [], []>, precision = #tpu.contract_precision<fp32>, transpose_lhs_hint = false} : vector<512x512xf32>, vector<512x8xf32>, vector<512x8xf32> -> vector<512x8xf32>
    %add3A_251 = vector.broadcast %add3A_232 : vector<1x8xf32> to vector<512x8xf32>
    %add3A_252 = arith.addf %dot_general3A_250, %add3A_251 : vector<512x8xf32>
    %reduce_sum3A_253 = arith.constant dense<0.000000e+00> : vector<8xf32>
    %reduce_sum3A_254 = vector.multi_reduction <add>, %convert_element_type3A_248, %reduce_sum3A_253 [0] : vector<512x8xf32> to vector<8xf32>
    %broadcast_in_dim3A_255 = vector.shape_cast %reduce_sum3A_254 : vector<8xf32> to vector<1x8xf32>
    %add3A_256 = arith.addf %add3A_232, %broadcast_in_dim3A_255 : vector<1x8xf32>
    %add3A_257 = vector.broadcast %mul3A_79 : vector<1x8xf32> to vector<512x8xf32>
    %add3A_258 = arith.addf %add3A_257, %add3A_252 : vector<512x8xf32>
    %mul3A_259 = arith.mulf %convert_element_type3A_248, %add3A_258 : vector<512x8xf32>
    %reduce_sum3A_260 = arith.constant dense<0.000000e+00> : vector<512xf32>
    %reduce_sum3A_261 = vector.multi_reduction <add>, %mul3A_259, %reduce_sum3A_260 [1] : vector<512x8xf32> to vector<512xf32>
    %broadcast_in_dim3A_262 = vector.shape_cast %reduce_sum3A_261 : vector<512xf32> to vector<512x1xf32>
    %convert_element_type3A_263 = arith.fptosi %broadcast_in_dim3A_262 : vector<512x1xf32> to vector<512x1xi32>
    %swap3A_264 = arith.constant 3072 : index
    %swap3A_265 = arith.constant 0 : index
    %swap3A_266 = vector.load %arg3[%swap3A_264, %swap3A_265] : memref<4096x1xi32, #tpu.memory_space<vmem>>, vector<512x1xi32>
    tpu.vector_store %arg3[%swap3A_264, %swap3A_265], %convert_element_type3A_263 {strides = array<i32>} : memref<4096x1xi32, #tpu.memory_space<vmem>>, vector<512x1xi32>,
    %slice3A_267 = vector.extract_strided_slice %broadcast_in_dim3A_35 {offsets = [1536, 0], sizes = [512, 1], strides = [1, 1]} : vector<2048x1xi32> to vector<512x1xi32>
    %iota3A_268 = tpu.iota {dimensions = array<i32: 1>} : vector<512x8xi32>
    %eq3A_269 = vector.broadcast %slice3A_267 : vector<512x1xi32> to vector<512x8xi32>
    %eq3A_270 = arith.cmpi eq, %iota3A_268, %eq3A_269 : vector<512x8xi32>
    %convert_element_type3A_271 = arith.extui %eq3A_270 : vector<512x8xi1> to vector<512x8xi32>
    %convert_element_type3A_272 = arith.sitofp %convert_element_type3A_271 : vector<512x8xi32> to vector<512x8xf32>
    %dot_general3A_273 = arith.constant dense<0.000000e+00> : vector<512x8xf32>
    %dot_general3A_274 = tpu.matmul %convert_element_type3A_97, %convert_element_type3A_272, %dot_general3A_273 {dimension_numbers = #tpu.dot_dimension_numbers<[1], [0], [0], [1], [0, 0, 1, 1], [], []>, precision = #tpu.contract_precision<fp32>, transpose_lhs_hint = false} : vector<512x512xf32>, vector<512x8xf32>, vector<512x8xf32> -> vector<512x8xf32>
    %add3A_275 = vector.broadcast %add3A_256 : vector<1x8xf32> to vector<512x8xf32>
    %add3A_276 = arith.addf %dot_general3A_274, %add3A_275 : vector<512x8xf32>
    %add3A_277 = vector.broadcast %mul3A_79 : vector<1x8xf32> to vector<512x8xf32>
    %add3A_278 = arith.addf %add3A_277, %add3A_276 : vector<512x8xf32>
    %mul3A_279 = arith.mulf %convert_element_type3A_272, %add3A_278 : vector<512x8xf32>
    %reduce_sum3A_280 = arith.constant dense<0.000000e+00> : vector<512xf32>
    %reduce_sum3A_281 = vector.multi_reduction <add>, %mul3A_279, %reduce_sum3A_280 [1] : vector<512x8xf32> to vector<512xf32>
    %broadcast_in_dim3A_282 = vector.shape_cast %reduce_sum3A_281 : vector<512xf32> to vector<512x1xf32>
    %convert_element_type3A_283 = arith.fptosi %broadcast_in_dim3A_282 : vector<512x1xf32> to vector<512x1xi32>
    %swap3A_284 = arith.constant 3584 : index
    %swap3A_285 = arith.constant 0 : index
    %swap3A_286 = vector.load %arg3[%swap3A_284, %swap3A_285] : memref<4096x1xi32, #tpu.memory_space<vmem>>, vector<512x1xi32>
    tpu.vector_store %arg3[%swap3A_284, %swap3A_285], %convert_element_type3A_283 {strides = array<i32>} : memref<4096x1xi32, #tpu.memory_space<vmem>>, vector<512x1xi32>,
    return
  }
  func.func @transform_0(%arg0: i32) -> (i32, i32, i32) {
    %c0_i32 = arith.constant 0 : i32
    %c0_i32_0 = arith.constant 0 : i32
    %c0_i32_1 = arith.constant 0 : i32
    %c0_i32_2 = arith.constant 0 : i32
    return %c0_i32, %c0_i32_0, %c0_i32_1 : i32, i32, i32
  }
  func.func @transform_1(%arg0: i32) -> (i32, i32) {
    %c0_i32 = arith.constant 0 : i32
    %c0_i32_0 = arith.constant 0 : i32
    %c0_i32_1 = arith.constant 0 : i32
    return %c0_i32, %c0_i32_0 : i32, i32
  }
  func.func @transform_2(%arg0: i32) -> (i32, i32) {
    %c0_i32 = arith.constant 0 : i32
    %c0_i32_0 = arith.constant 0 : i32
    %c0_i32_1 = arith.constant 0 : i32
    return %c0_i32, %c0_i32_0 : i32, i32
  }
  func.func @transform_3(%arg0: i32) -> (i32, i32) {
    %c0_i32 = arith.constant 0 : i32
    %c0_i32_0 = arith.constant 0 : i32
    %c0_i32_1 = arith.constant 0 : i32
    return %c0_i32, %c0_i32_0 : i32, i32
  }
  func.func @transform_4(%arg0: i32) -> (i32, i32) {
    %c0_i32 = arith.constant 0 : i32
    %c0_i32_0 = arith.constant 0 : i32
    %c0_i32_1 = arith.constant 0 : i32
    return %c0_i32, %c0_i32_0 : i32, i32
  }
  func.func @transform_5(%arg0: i32) -> (i32, i32) {
    %c0_i32 = arith.constant 0 : i32
    %c0_i32_0 = arith.constant 0 : i32
    %c0_i32_1 = arith.constant 0 : i32
    return %c0_i32, %c0_i32_0 : i32, i32
  }
  func.func @transform_6(%arg0: i32) -> (i32, i32) {
    %c0_i32 = arith.constant 0 : i32
    %c0_i32_0 = arith.constant 0 : i32
    %c0_i32_1 = arith.constant 0 : i32
    return %c0_i32, %c0_i32_0 : i32, i32
  }
  func.func @transform_7(%arg0: i32) -> (i32, i32) {
    %c0_i32 = arith.constant 0 : i32
    %c0_i32_0 = arith.constant 0 : i32
    %c0_i32_1 = arith.constant 0 : i32
    return %c0_i32, %c0_i32_0 : i32, i32
  }
}

module attributes {stable_mosaic.version = 14 : i64} {
  func.func @_k3_mlp(%arg0: i32, %arg1: i32, %arg2: memref<8xi32, #tpu.memory_space<smem>>, %arg3: memref<8xi32, #tpu.memory_space<smem>>, %arg4: memref<256x768xf32, #tpu.memory_space<vmem>>, %arg5: memref<256x1xf32, #tpu.memory_space<vmem>>, %arg6: memref<1x768x1536xf32, #tpu.memory_space<vmem>>, %arg7: memref<1x1x1536xf32, #tpu.memory_space<vmem>>, %arg8: memref<1x1536x768xf32, #tpu.memory_space<vmem>>, %arg9: memref<1x1x768xf32, #tpu.memory_space<vmem>>, %arg10: memref<256x768xf32, #tpu.memory_space<vmem>>) attributes {dimension_semantics = [#tpu.dimension_semantics<arbitrary>, #tpu.dimension_semantics<arbitrary>], iteration_bounds = array<i64: 8, 8>, scalar_prefetch = 2 : i64, scratch_operands = 0 : i64, tpu.core_type = #tpu.core_type<tc>, window_params = [{transform_indices = @transform_0, window_bounds = array<i64: 256, 768>}, {transform_indices = @transform_1, window_bounds = array<i64: 256, 1>}, {transform_indices = @transform_2, window_bounds = array<i64: 1, 768, 1536>}, {transform_indices = @transform_3, window_bounds = array<i64: 1, 1, 1536>}, {transform_indices = @transform_4, window_bounds = array<i64: 1, 1536, 768>}, {transform_indices = @transform_5, window_bounds = array<i64: 1, 1, 768>}, {transform_indices = @transform_6, window_bounds = array<i64: 256, 768>}]} {
    %get3A = arith.index_cast %arg0 : i32 to index
    %get3A_0 = memref.load %arg2[%get3A] : memref<8xi32, #tpu.memory_space<smem>>
    %lt3A = arith.cmpi slt, %arg1, %get3A_0 : i32
    %convert_element_type3A = arith.extui %lt3A : i1 to i32
    %cond3A = arith.constant 0 : i32
    %cond3A_1 = arith.cmpi ne, %convert_element_type3A, %cond3A : i32
    scf.if %cond3A_1 {
      %get3A_2 = arith.constant 0 : index
      %get3A_3 = arith.constant 0 : index
      %get3A_4 = vector.load %arg4[%get3A_2, %get3A_3] : memref<256x768xf32, #tpu.memory_space<vmem>>, vector<256x768xf32>
      %convert_element_type3A_5 = arith.truncf %get3A_4 : vector<256x768xf32> to vector<256x768xbf16>
      %get3A_6 = arith.constant 0 : index
      %get3A_7 = arith.constant 0 : index
      %get3A_8 = arith.constant 0 : index
      %get3A_9 = vector.load %arg6[%get3A_6, %get3A_7, %get3A_8] : memref<1x768x1536xf32, #tpu.memory_space<vmem>>, vector<1x768x1536xf32>
      %get3A_10 = vector.shape_cast %get3A_9 : vector<1x768x1536xf32> to vector<768x1536xf32>
      %convert_element_type3A_11 = arith.truncf %get3A_10 : vector<768x1536xf32> to vector<768x1536xbf16>
      %dot_general3A = arith.constant dense<0.000000e+00> : vector<256x1536xf32>
      %dot_general3A_12 = tpu.matmul %convert_element_type3A_5, %convert_element_type3A_11, %dot_general3A {dimension_numbers = #tpu.dot_dimension_numbers<[1], [0], [0], [1], [0, 0, 1, 1], [], []>, transpose_lhs_hint = false} : vector<256x768xbf16>, vector<768x1536xbf16>, vector<256x1536xf32> -> vector<256x1536xf32>
      %get3A_13 = arith.constant 0 : index
      %get3A_14 = arith.constant 0 : index
      %get3A_15 = arith.constant 0 : index
      %get3A_16 = vector.load %arg7[%get3A_13, %get3A_14, %get3A_15] : memref<1x1x1536xf32, #tpu.memory_space<vmem>>, vector<1x1x1536xf32>
      %get3A_17 = vector.shape_cast %get3A_16 : vector<1x1x1536xf32> to vector<1x1536xf32>
      %add3A = vector.broadcast %get3A_17 : vector<1x1536xf32> to vector<256x1536xf32>
      %add3A_18 = arith.addf %dot_general3A_12, %add3A : vector<256x1536xf32>
      %mul3A = arith.constant 5.000000e-01 : f32
      %mul3A_19 = vector.broadcast %mul3A : f32 to vector<256x1536xf32>
      %mul3A_20 = arith.mulf %mul3A_19, %add3A_18 : vector<256x1536xf32>
      %mul3A_21 = arith.constant 0.707106769 : f32
      %mul3A_22 = vector.broadcast %mul3A_21 : f32 to vector<256x1536xf32>
      %mul3A_23 = arith.mulf %add3A_18, %mul3A_22 : vector<256x1536xf32>
      %erf3A = math.erf %mul3A_23 : vector<256x1536xf32>
      %add3A_24 = arith.constant 1.000000e+00 : f32
      %add3A_25 = vector.broadcast %add3A_24 : f32 to vector<256x1536xf32>
      %add3A_26 = arith.addf %add3A_25, %erf3A : vector<256x1536xf32>
      %mul3A_27 = arith.mulf %mul3A_20, %add3A_26 : vector<256x1536xf32>
      %convert_element_type3A_28 = arith.truncf %mul3A_27 : vector<256x1536xf32> to vector<256x1536xbf16>
      %get3A_29 = arith.constant 0 : index
      %get3A_30 = arith.constant 0 : index
      %get3A_31 = arith.constant 0 : index
      %get3A_32 = vector.load %arg8[%get3A_29, %get3A_30, %get3A_31] : memref<1x1536x768xf32, #tpu.memory_space<vmem>>, vector<1x1536x768xf32>
      %get3A_33 = vector.shape_cast %get3A_32 : vector<1x1536x768xf32> to vector<1536x768xf32>
      %convert_element_type3A_34 = arith.truncf %get3A_33 : vector<1536x768xf32> to vector<1536x768xbf16>
      %dot_general3A_35 = arith.constant dense<0.000000e+00> : vector<256x768xf32>
      %dot_general3A_36 = tpu.matmul %convert_element_type3A_28, %convert_element_type3A_34, %dot_general3A_35 {dimension_numbers = #tpu.dot_dimension_numbers<[1], [0], [0], [1], [0, 0, 1, 1], [], []>, transpose_lhs_hint = false} : vector<256x1536xbf16>, vector<1536x768xbf16>, vector<256x768xf32> -> vector<256x768xf32>
      %get3A_37 = arith.constant 0 : index
      %get3A_38 = arith.constant 0 : index
      %get3A_39 = arith.constant 0 : index
      %get3A_40 = vector.load %arg9[%get3A_37, %get3A_38, %get3A_39] : memref<1x1x768xf32, #tpu.memory_space<vmem>>, vector<1x1x768xf32>
      %get3A_41 = vector.shape_cast %get3A_40 : vector<1x1x768xf32> to vector<1x768xf32>
      %add3A_42 = vector.broadcast %get3A_41 : vector<1x768xf32> to vector<256x768xf32>
      %add3A_43 = arith.addf %dot_general3A_36, %add3A_42 : vector<256x768xf32>
      %get3A_44 = arith.constant 0 : index
      %get3A_45 = arith.constant 0 : index
      %get3A_46 = vector.load %arg5[%get3A_44, %get3A_45] : memref<256x1xf32, #tpu.memory_space<vmem>>, vector<256x1xf32>
      %mul3A_47 = vector.broadcast %get3A_46 : vector<256x1xf32> to vector<256x768xf32>
      %mul3A_48 = arith.mulf %add3A_43, %mul3A_47 : vector<256x768xf32>
      %swap3A = arith.constant 0 : index
      %swap3A_49 = arith.constant 0 : index
      %swap3A_50 = vector.load %arg10[%swap3A, %swap3A_49] : memref<256x768xf32, #tpu.memory_space<vmem>>, vector<256x768xf32>
      tpu.vector_store %arg10[%swap3A, %swap3A_49], %mul3A_48 {strides = array<i32>} : memref<256x768xf32, #tpu.memory_space<vmem>>, vector<256x768xf32>,
    } else {
    }
    return
  }
  func.func @transform_0(%arg0: i32, %arg1: i32, %arg2: memref<8xi32, #tpu.memory_space<smem>>, %arg3: memref<8xi32, #tpu.memory_space<smem>>) -> (i32, i32) {
    %get3A = arith.index_cast %arg0 : i32 to index
    %get3A_0 = memref.load %arg3[%get3A] : memref<8xi32, #tpu.memory_space<smem>>
    %get3A_1 = arith.index_cast %arg0 : i32 to index
    %get3A_2 = memref.load %arg2[%get3A_1] : memref<8xi32, #tpu.memory_space<smem>>
    %sub3A = arith.constant 1 : i32
    %sub3A_3 = arith.subi %get3A_2, %sub3A : i32
    %min3A = arith.minsi %arg1, %sub3A_3 : i32
    %add3A = arith.addi %get3A_0, %min3A : i32
    %c0_i32 = arith.constant 0 : i32
    %c0_i32_4 = arith.constant 0 : i32
    return %add3A, %c0_i32 : i32, i32
  }
  func.func @transform_1(%arg0: i32, %arg1: i32, %arg2: memref<8xi32, #tpu.memory_space<smem>>, %arg3: memref<8xi32, #tpu.memory_space<smem>>) -> (i32, i32) {
    %get3A = arith.index_cast %arg0 : i32 to index
    %get3A_0 = memref.load %arg3[%get3A] : memref<8xi32, #tpu.memory_space<smem>>
    %get3A_1 = arith.index_cast %arg0 : i32 to index
    %get3A_2 = memref.load %arg2[%get3A_1] : memref<8xi32, #tpu.memory_space<smem>>
    %sub3A = arith.constant 1 : i32
    %sub3A_3 = arith.subi %get3A_2, %sub3A : i32
    %min3A = arith.minsi %arg1, %sub3A_3 : i32
    %add3A = arith.addi %get3A_0, %min3A : i32
    %c0_i32 = arith.constant 0 : i32
    %c0_i32_4 = arith.constant 0 : i32
    return %add3A, %c0_i32 : i32, i32
  }
  func.func @transform_2(%arg0: i32, %arg1: i32, %arg2: memref<8xi32, #tpu.memory_space<smem>>, %arg3: memref<8xi32, #tpu.memory_space<smem>>) -> (i32, i32, i32) {
    %c0_i32 = arith.constant 0 : i32
    %c0_i32_0 = arith.constant 0 : i32
    %c0_i32_1 = arith.constant 0 : i32
    return %arg0, %c0_i32, %c0_i32_0 : i32, i32, i32
  }
  func.func @transform_3(%arg0: i32, %arg1: i32, %arg2: memref<8xi32, #tpu.memory_space<smem>>, %arg3: memref<8xi32, #tpu.memory_space<smem>>) -> (i32, i32, i32) {
    %c0_i32 = arith.constant 0 : i32
    %c0_i32_0 = arith.constant 0 : i32
    %c0_i32_1 = arith.constant 0 : i32
    return %arg0, %c0_i32, %c0_i32_0 : i32, i32, i32
  }
  func.func @transform_4(%arg0: i32, %arg1: i32, %arg2: memref<8xi32, #tpu.memory_space<smem>>, %arg3: memref<8xi32, #tpu.memory_space<smem>>) -> (i32, i32, i32) {
    %c0_i32 = arith.constant 0 : i32
    %c0_i32_0 = arith.constant 0 : i32
    %c0_i32_1 = arith.constant 0 : i32
    return %arg0, %c0_i32, %c0_i32_0 : i32, i32, i32
  }
  func.func @transform_5(%arg0: i32, %arg1: i32, %arg2: memref<8xi32, #tpu.memory_space<smem>>, %arg3: memref<8xi32, #tpu.memory_space<smem>>) -> (i32, i32, i32) {
    %c0_i32 = arith.constant 0 : i32
    %c0_i32_0 = arith.constant 0 : i32
    %c0_i32_1 = arith.constant 0 : i32
    return %arg0, %c0_i32, %c0_i32_0 : i32, i32, i32
  }
  func.func @transform_6(%arg0: i32, %arg1: i32, %arg2: memref<8xi32, #tpu.memory_space<smem>>, %arg3: memref<8xi32, #tpu.memory_space<smem>>) -> (i32, i32) {
    %get3A = arith.index_cast %arg0 : i32 to index
    %get3A_0 = memref.load %arg3[%get3A] : memref<8xi32, #tpu.memory_space<smem>>
    %get3A_1 = arith.index_cast %arg0 : i32 to index
    %get3A_2 = memref.load %arg2[%get3A_1] : memref<8xi32, #tpu.memory_space<smem>>
    %sub3A = arith.constant 1 : i32
    %sub3A_3 = arith.subi %get3A_2, %sub3A : i32
    %min3A = arith.minsi %arg1, %sub3A_3 : i32
    %add3A = arith.addi %get3A_0, %min3A : i32
    %c0_i32 = arith.constant 0 : i32
    %c0_i32_4 = arith.constant 0 : i32
    return %add3A, %c0_i32 : i32, i32
  }
}

</mosaic_0001>

<sc_bundles>
// kernel: kernel.6.cloned.1.call-start
scs
__scs_entry_jumppad:
0x0: {  	(pc) =	sbr.rel $0x88, $3  }
0x1: {  	(tag) =	ssettag $0x0;
	lr =	simm.s32 $0x1  }
0x2: {  	[smem:$0x3F9B] =	sst lr;
	_ =	strace $0xD0000000  }
0x3: {  	_ = 	snop  }
0x4: {  	_ = 	snop  }
0x5: {  	_ = 	snop  }
0x6: {  	_ = 	snop  }
0x7: {  	_ = 	snop  }
__scs_overlays_trampoline_lowered:
0x8: {  	[smem:$0x3FAA] =	sst s0  }
0x9: {  	[smem:$0x3FAB] =	sst s1  }
0xa: {  	[smem:$0x3FAC] =	sst s2  }
0xb: {  	[smem:$0x3FAD] =	sst s3  }
0xc: {  	[smem:$0x3FAE] =	sst s4  }
0xd: {  	[smem:$0x3FAF] =	sst s5  }
0xe: {  	[smem:$0x3FB0] =	sst s6  }
0xf: {  	[smem:$0x3FB1] =	sst s7  }
0x10: {  	[smem:$0x3FB2] =	sst s8  }
0x11: {  	[smem:$0x3FB3] =	sst s9;
	s0 =	simm.s32 @!p0 $0x0  }
0x12: {  	s1 =	sld [smem:$0x3F99];
	s0 =	simm.s32 @p0 $0x1  }
0x13: {  	[smem:$0x3FB4] =	sst s0;
	s0 =	simm.s32 @!p1 $0x0  }
0x14: {  	s2 =	sld [smem:$0x3F98];
	s0 =	simm.s32 @p1 $0x1  }
0x15: {  	[smem:$0x3FB5] =	sst s0;
	s0 =	simm.s32 @!p2 $0x0  }
0x16: {  	s3 =	sld [smem:$0x3FDB];
	s0 =	simm.s32 @p2 $0x1  }
0x17: {  	s4 =	simm.s32 $0x1BF5;
	[smem:$0x3FB7] =	sst s0  }
0x18: {  	s0 =	sld [smem:$0x3F9A];
	_ =	swait.ge [sflag:s4], $0x0  }
0x19: {  	s7 =	sld [smem:$0x3F9B]  }
0x1a: {  	s8 =	sadd.s32 $0xFFFFE003, lr  }
0x1b: {  	s9 =	sadd.s32 $0xFFFFFEF7, lr;
	s5 =	simm.s32 $0xFFFFFFFF;
	p2 =	slt.u32 s8, $0xFFFFF086  }
0x1c: {  	p1 =	slt.u32 s9, $0xF7A;
	s5 =	simm.s32 @!p2 $0x0  }
0x1d: {  	s5 =	simm.s32 @p1 $0x1;
	p0 =	seq.s32 s7, s2  }
0x1e: {  	s7 =	smul.u32 @!p0 $0xF7A, s2;
	p2 =	seq.s32 @!p0 s5, $0x0  }
0x1f: {  	s9 =	smul.u32 $0xF7A, s1;
	s8 =	simm.s32 @!p0 $0x1BF5;
	p2 =	por !p2, p0  }
0x20: {  	[sflag:s8] =	ssyncset.s32 @!p0 $0xFFFFF086;
	s6 =	sadd.s32 @!p0 s3, s7;
	s7 =	simm.s32 @!p0 $0x108  }
0x21: {  	s3 =	sadd.s32 s3, s9;
	s6 =	sadd.s32 @!p0 $0x88, s6;
	s7 =	simm.s32 @p2 $0x1082  }
0x22: {  	[simem:s7], [sflag:s8] =	dma.local @!p0 [hbm:s6], $0xF7A  }
0x23: {  	s9 =	sor.u32 $0xD0000000, s2;
	s6 =	simm.s32 $0x108;
	_ =	swait.ge @!p0 [sflag:s8], $0x0  }
0x24: {  	s3 =	sadd.s32 $0x88, s3;
	s6 =	simm.s32 @!p1 $0x1082;
	[sflag:s4] =	ssyncset.s32 $0xFFFFF086  }
0x25: {  	[simem:s6], [sflag:s4] =	dma.local [hbm:s3], $0xF7A  }
0x26: {  	[smem:$0x3F9B] =	sst s1;
	(tag) =	ssettag s2;
	_ =	strace s9  }
0x27: {  	s1 =	sld [smem:$0x3FAB]  }
0x28: {  	s2 =	sld [smem:$0x3FAC]  }
0x29: {  	s4 =	sld [smem:$0x3FAE]  }
0x2a: {  	p0 =	seq.s32 s5, $0x0;
	s5 =	sld [smem:$0x3FAF]  }
0x2b: {  	s6 =	sld [smem:$0x3FB0]  }
0x2c: {  	s7 =	sld [smem:$0x3FB1]  }
0x2d: {  	s3 =	simm.s32 $0x108;
	s8 =	sld [smem:$0x3FB2]  }
0x2e: {  	s3 =	simm.s32 @!p0 $0x1082;
	s9 =	sld [smem:$0x3FB3]  }
0x2f: {  	lr =	sadd.s32 s0, s3;
	s0 =	sld [smem:$0x3FAA]  }
0x30: {  	s3 =	sld [smem:$0x3FAD]  }
0x31: {  	[smem:$0x3FB6] =	sst s10  }
0x32: {  	s10 =	sld [smem:$0x3FB4];
	_ =	sdelay $0x3  }
0x33: {  	p0 =	seq.s32 s10, $0x1;
	s10 =	sld [smem:$0x3FB6];
	_ =	sdelay $0x3  }
0x34: {  	[smem:$0x3FB6] =	sst s10  }
0x35: {  	s10 =	sld [smem:$0x3FB5];
	_ =	sdelay $0x3  }
0x36: {  	p1 =	seq.s32 s10, $0x1;
	s10 =	sld [smem:$0x3FB6];
	_ =	sdelay $0x3  }
0x37: {  	[smem:$0x3FB6] =	sst s10  }
0x38: {  	s10 =	sld [smem:$0x3FB7]  }
0x39: {  	_ = 	snop;
	(pc) =	sbr.ind lr, $3  }
0x3a: {  	_ = 	snop  }
0x3b: {  	_ = 	snop  }
0x3c: {  	p2 =	seq.s32 s10, $0x1;
	s10 =	sld [smem:$0x3FB6]  }
0x3d: {  	_ =	shalt  }
0x3e: {  	_ =	shalt  }
0x3f: {  	_ =	shalt  }
0x40: {  	_ =	shalt  }
0x41: {  	_ =	shalt  }
0x42: {  	_ =	shalt  }
0x43: {  	_ =	shalt  }
0x44: {  	_ =	shalt  }
0x45: {  	_ =	shalt  }
0x46: {  	_ =	shalt  }
0x47: {  	_ =	shalt  }
0x48: {  	_ =	shalt  }
0x49: {  	_ =	shalt  }
0x4a: {  	_ =	shalt  }
0x4b: {  	_ =	shalt  }
0x4c: {  	_ =	shalt  }
0x4d: {  	_ =	shalt  }
0x4e: {  	_ =	shalt  }
0x4f: {  	_ =	shalt  }
0x50: {  	_ =	shalt  }
0x51: {  	_ =	shalt  }
0x52: {  	_ =	shalt  }
0x53: {  	_ =	shalt  }
0x54: {  	_ =	shalt  }
0x55: {  	_ =	shalt  }
0x56: {  	_ =	shalt  }
0x57: {  	_ =	shalt  }
0x58: {  	_ =	shalt  }
0x59: {  	_ =	shalt  }
0x5a: {  	_ =	shalt  }
0x5b: {  	_ =	shalt  }
0x5c: {  	_ =	shalt  }
0x5d: {  	_ =	shalt  }
0x5e: {  	_ =	shalt  }
0x5f: {  	_ =	shalt  }
0x60: {  	_ =	shalt  }
0x61: {  	_ =	shalt  }
0x62: {  	_ =	shalt  }
0x63: {  	_ =	shalt  }
0x64: {  	_ =	shalt  }
0x65: {  	_ =	shalt  }
0x66: {  	_ =	shalt  }
0x67: {  	_ =	shalt  }
0x68: {  	_ =	shalt  }
0x69: {  	_ =	shalt  }
0x6a: {  	_ =	shalt  }
0x6b: {  	_ =	shalt  }
0x6c: {  	_ =	shalt  }
0x6d: {  	_ =	shalt  }
0x6e: {  	_ =	shalt  }
0x6f: {  	_ =	shalt  }
0x70: {  	_ =	shalt  }
0x71: {  	_ =	shalt  }
0x72: {  	_ =	shalt  }
0x73: {  	_ =	shalt  }
0x74: {  	_ =	shalt  }
0x75: {  	_ =	shalt  }
0x76: {  	_ =	shalt  }
0x77: {  	_ =	shalt  }
0x78: {  	_ =	shalt  }
0x79: {  	_ =	shalt  }
0x7a: {  	_ =	shalt  }
0x7b: {  	_ =	shalt  }
0x7c: {  	_ =	shalt  }
0x7d: {  	_ =	shalt  }
0x7e: {  	_ =	shalt  }
0x7f: {  	_ =	shalt  }
0x80: {  	_ =	shalt  }
0x81: {  	_ =	shalt  }
0x82: {  	_ =	shalt  }
0x83: {  	_ =	shalt  }
0x84: {  	_ =	shalt  }
0x85: {  	_ =	shalt  }
0x86: {  	_ =	shalt  }
0x87: {  	_ =	shalt  }
.Lfunc_end0:
.L_simem_size_0:
called_computation_lowered:
.L_overlay_start_0:
0x88: {  	s2 =	sld [smem:$0x3FD9]  }
0x89: {  	s3 =	sld [smem:$0x3FFE];
	_ =	sdelay $0x1  }
0x8a: {  	s1 =	srdreg.scid  }
0x8b: {  	s0 =	sand.u32 $0x1, s1  }
0x8c: {  	s17 =	sshll.u32 s0, $0xA;
	s2 =	sadd.s32 s3, s2  }
0x8d: {  	s2 =	sadd.s32 s2, s17  }
0x8e: {  	[smem:$0x3FC2] =	sst s2  }
0x8f: {  	_ = 	snop  }
0x90: {  	s2 =	sld [smem:$0x3FC9]  }
0x91: {  	s18 =	sld [smem:$0x3FD0];
	(tm) =	ssettm $0x1  }
0x92: {  	s4 =	sld [smem:$0x3FFB];
	_ =	sdelay $0x3  }
0x93: {  	_ =	strace s4  }
0x94: {  	s4 =	sld [smem:$0x3FFC];
	_ =	sdelay $0x3  }
0x95: {  	_ =	strace s4  }
0x96: {  	s4 =	sld [smem:$0x3FFD];
	_ =	sdelay $0x3  }
0x97: {  	_ =	strace s4  }
0x98: {  	_ =	strace $0x8FFFFFFF  }
0x99: {  	s19 =	sld [smem:$0x3FDB];
	_ =	sdelay $0x1  }
0x9a: {  	s5 =	simm.s32 $_scs_section_size  }
0x9b: {  	s6 =	simm.s32 $_size__tile_overlayer_lowered;
	s7 =	simm.s32 $_tile_overlayer_lowered  }
0x9c: {  	s22 =	simm.s32 $0x1BFF;
	s21 =	sshll.u32 s7, $0x1;
	s4 =	sadd.s32 s5, s19  }
0x9d: {  	s8 =	simm.s32 $0x0;
	s20 =	sshll.u32 s6, $0x1;
	s6 =	sadd.s32 s21, s4  }
0x9e: {  	[timem:s8], [sflag:s22] =	dma.local [hbm:s6], s20  }
0x9f: {  	_ =	swait.ge [sflag:s22], s20  }
0xa0: {  	s5 =	ssub.s32 $0x0, s20;
	[sflag:s22] =	ssyncset.done $0x0  }
0xa1: {  	[sflag:s22] =	ssyncadd.s32 s5;
	_ =	sdelay $0x1  }
0xa2: {  	s23 =	simm.s32 $0x1B8B  }
0xa3: {  	_ =	swait.ge [sflag:s23], $0x1  }
0xa4: {  	[sflag:s23] =	ssyncset.done $0x0  }
0xa5: {  	s25 =	simm.s32 $0x1B8E;
	s24 =	sld [smem:$0x3FFE];
	[sflag:s23] =	ssyncadd.s32 $0xFFFFFFFF  }
0xa6: {  	s26 =	simm.s32 $execute0_lowered;
	[smem:$0x3FD2] =	sst s25  }
0xa7: {  	s6 =	sshll.u32 s26, $0x1;
	_ =	strace $0x80000046;
	[dreg:$0x1] =	wrdreg $0xFFFFFFFF  }
0xa8: {  	s28 =	simm.s32 $_size_execute0_lowered;
	s4 =	sadd.s32 s4, s6;
	[dreg:$0x0] =	wrdreg $0x0  }
0xa9: {  	s6 =	sshll.u32 s28, $0x1;
	[dreg:$0x2] =	wrdreg s4  }
0xaa: {  	[dreg:$0x3] =	wrdreg s6  }
0xab: {  	[dreg:$0x4] =	wrdreg $0xC0  }
0xac: {  	_ =	task [dreg:s8], $0x5FFFF  }
0xad: {  	[dreg:$0x1] =	wrdreg $0xFFFFFFFF  }
0xae: {  	[dreg:$0x0] =	wrdreg $0x60  }
0xaf: {  	[dreg:$0x2] =	wrdreg s24  }
0xb0: {  	[dreg:$0x3] =	wrdreg s2  }
0xb1: {  	[dreg:$0x4] =	wrdreg s18  }
0xb2: {  	[dreg:$0x5] =	wrdreg $0x9  }
0xb3: {  	_ =	task.clear_ibuf [dreg:s8], $0x6FFFF;
	_ =	strace $0x90000046  }
0xb4: {  	s29 =	simm.s32 $0x9;
	_ =	strace $0x80000048  }
0xb5: {  	_ =	swait.ge [sflag:s29], $0x1  }
0xb6: {  	[sflag:s29] =	ssyncadd.s32 $0xFFFFFFFF  }
0xb7: {  	_ =	strace $0x90000048  }
0xb8: {  	_ =	sfence  }
0xb9: {  	s30 =	sld [smem:$0x0];
	_ =	sdelay $0x2  }
0xba: {  	s31 =	sshll.u32 s1, $0xD;
	s1 =	sshrl.u32 s1, $0x2  }
0xbb: {  	s3 =	sand.u32 $0x4000, s31;
	s1 =	sadd.s32 s1, s30  }
0xbc: {  	s0 =	sor.u32 s3, s0;
	s1 =	sshll.u32 s1, $0x11  }
0xbd: {  	s0 =	sor.u32 s1, s0  }
0xbe: {  	s0 =	sadd.s32 $0x8F2B, s0  }
0xbf: {  	[sflag:s0] =	ssyncadd.remote.s32 $0x1  }
0xc0: {  	_ =	sfence.sel $0xFFFF  }
0xc1: {  	[dreg:$0x0] =	wrdreg $0xFFFFFFFF;
	(pc) =	sbr.abs _section_cstart, $3  }
0xc2: {  	[dreg:$0x1] =	wrdreg $0xFFFFFFFF  }
0xc3: {  	_ =	task.clear_ibuf [dreg:s8], $0x2FFFF;
	_ =	strace $0x9FFFFFFF  }
0xc4: {  	(tm) =	ssettm $0x7FFFFFFF  }
0xc5: {  	_ =	shalt  }
tec
execute0_lowered:
.L_overlay_start_1:
0x0: {  	(tag) =	ssettag $0x1  }
0x1: {  	s1 =	rddreg [dreg:$0x0]  }
0x2: {  	s0 =	srdreg.scid;
	s2 =	rddreg [dreg:$0x1]  }
0x3: {  	s4 =	stileid.u32;
	s25 =	rddreg [dreg:$0x2]  }
0x4: {  	s14 =	simm.s32 $0x2;
	s16 =	simm.s32 $0x2000;
	s17 =	simm.s32 $0x2100  }
0x5: {  	s22 =	simm.s32 $0x0;
	s15 =	simm.s32 $0x7B00;
	s19 =	simm.s32 $0xA300  }
0x6: {  	s10 =	simm.s32 $0xAB00;
	s20 =	simm.s32 $0xB300;
	s0 =	sand.u32 $0x1, s0  }
0x7: {  	s11 =	simm.s32 $0xBB00;
	s21 =	simm.s32 $0xC300;
	s3 =	sshll.u32 s0, $0x4  }
0x8: {  	s7 =	sadd.s32 $0xE00, s1;
	s0 =	ssub.s32 $0x2, s0;
	s3 =	sor.u32 s4, s3  }
0x9: {  	s28 =	sshrl.u32 s0, $0x1;
	s12 =	smul.u32 $0xC0, s3;
	s3 =	simm.s32 $0x0  }
0xa: {  	s26 =	sadd.s32 $0x1000, s1;
	s0 =	ssub.s32 s0, s28;
	[smem:$0x7FF] =	sst s3  }
0xb: {  	s5 =	sshrl.u32 s12, $0x3;
	_ =	strace $0x80000047;
	[dreg:$0x4] =	wrdreg s7  }
0xc: {  	s0 =	smax.u32 s0, $0x1;
	[dreg:$0x5] =	wrdreg s26;
	s6 =	smul.u32 $0x300, s5  }
0xd: {  	s18 =	simm.s32 $0xCB00;
	s8 =	sadd.s32 $0x100, s2;
	[dreg:$0xb] =	wrdreg s0  }
0xe: {  	s4 =	sadd.s32 s25, s5;
	s6 =	sadd.s32 s6, s1;
	s1 =	sadd.s32 s5, s1  }
0xf: {  	s9 =	sadd.s32 $0x200, s2;
	[dreg:$0x6] =	wrdreg s4;
	s1 =	sadd.s32 $0x1200, s1  }
0x10: {  	v0 =	vmov s12;
	s12 =	simm.s32 $0x2300;
	s29 =	sadd.s32 $0x1600, s6;
	[dreg:$0x7] =	wrdreg s1  }
0x11: {  	v1 =	vimm.s32 $0x0;
	v2 =	vimm.f32 $0.0e+00;
	v3 =	vlaneseq.u32;
	s7 =	simm.s32 $0x9B00;
	s30 =	sadd.s32 $0x2E00, s6;
	[dreg:$0x8] =	wrdreg s29  }
0x12: {  	vm0 =	vmmov $0xffff;
	v4 =	vor.u32 $0xFFFFF800, v3;
	v6 =	vshrl.u32 v3, $0x3;
	s4 =	simm.s32 $0xE300;
	s31 =	sadd.s32 $0x4600, s6;
	[dreg:$0x9] =	wrdreg s30  }
0x13: {  	v5 =	vand.u32 $0x7, v3;
	v7 =	vor.u32 $0x8, v3;
	v6 =	vmul.u32 $0x8, v6;
	s5 =	simm.s32 $0x8B00;
	s6 =	simm.s32 $0x9300;
	[dreg:$0xa] =	wrdreg s31  }
.LBB2_1:
0x14: {  	s0 =	rddreg [dreg:$0x4]  }
0x15: {  	[tilespmem:s3], [sflag:$0x2] =	stream.linear.gather [hbm4b:s0+s3], $0x1000, $0x38;
	[tilespmem:$0x1A300] =	vst v63  }
0x16: {  	_ =	swait.ge [sflag:s14], $0x1000  }
0x17: {  	[sflag:s14] =	ssyncset.done $0x0  }
0x18: {  	s1 =	simm.s32 $0x1000;
	s31 =	rddreg [dreg:$0x5];
	[sflag:s14] =	ssyncadd.s32 $0xFFFFF000  }
0x19: {  	[tilespmem:s1], [sflag:$0x2] =	stream.linear.gather [hbm4b:s31+s3], $0x1000, $0x38;
	[tilespmem:$0x1A300] =	vst v63  }
0x1a: {  	_ =	swait.ge [sflag:s14], $0x1000  }
0x1b: {  	[sflag:s14] =	ssyncset.done $0x0  }
0x1c: {  	s23 =	simm.s32 $0x2020;
	[sflag:s14] =	ssyncadd.s32 $0xFFFFF000  }
0x1d: {  	[tilespmem:s23+$0xFFFFFFF0] =	vst v1  }
0x1e: {  	[tilespmem:s23+$0x0] =	vst v1  }
0x1f: {  	[tilespmem:s23+$0x10] =	vst v1  }
0x20: {  	s25 =	simm.s32 $0x2120;
	[tilespmem:s23+$0xFFFFFFE0] =	vst v1  }
0x21: {  	[tilespmem:s25+$0xFFFFFFF0] =	vst v2  }
0x22: {  	[tilespmem:s25+$0x0] =	vst v2  }
0x23: {  	s13 =	simm.s32 $0x1040;
	s26 =	simm.s32 $0x0;
	[tilespmem:s25+$0x10] =	vst v2  }
0x24: {  	s24 =	simm.s32 $0x70;
	s28 =	simm.s32 $0x2060;
	s23 =	simm.s32 $0x40;
	[tilespmem:s25+$0xFFFFFFE0] =	vst v2  }
.LBB2_2:
0x25: {  	[tilespmem:s28+$0xFFFFFFF0] =	vst v1;
	s25 =	sadd.s32 $0x40, s25  }
0x26: {  	s26 =	sadd.s32 $0x4, s26;
	[tilespmem:s25+$0xFFFFFFF0] =	vst v2  }
0x27: {  	p0 =	slt.u32 s26, $0x8;
	[tilespmem:s28+$0x0] =	vst v1  }
.Ltmp0:
0x28: {  	[tilespmem:s25+$0x0] =	vst v2;
	(pc) =	sbr.rel @p0 .LBB2_2-.Ltmp0, $4  }
0x29: {  	[tilespmem:s28+$0x10] =	vst v1  }
0x2a: {  	[tilespmem:s25+$0x10] =	vst v2  }
0x2b: {  	[tilespmem:s28+$0xFFFFFFE0] =	vst v1  }
0x2c: {  	s28 =	sadd.s32 $0x40, s28;
	[tilespmem:s25+$0xFFFFFFE0] =	vst v2  }
0x2d: {  	s25 =	simm.s32 $0x30;
	v23 =	vadd.s32 s24, v4  }
0x2e: {  	s26 =	simm.s32 $0x40;
	s28 =	simm.s32 $0x60;
	s29 =	simm.s32 $0x20;
	v62 =	vmov s24;
	v63 =	vor.u32 s24, v3;
	v22 =	vadd.s32 s25, v4  }
0x2f: {  	s31 =	simm.s32 $0x0;
	v8 =	vmov s26;
	v9 =	vmov s28;
	v10 =	vadd.s32 s29, v4  }
0x30: {  	v12 =	vld [tilespmem:s23+$0x0];
	v11 =	vor.u32 s29, v3;
	v15 =	vmov s25;
	v17 =	vmov s31  }
0x31: {  	s30 =	simm.s32 $0x10;
	v13 =	vld [tilespmem:s23+$0xFFFFFFD0];
	v19 =	vadd.s32 s26, v4;
	vm3 =	vgt.u32 v8, $0x7FF;
	vm2 =	vgt.u32 v9, $0x7FF  }
0x32: {  	s1 =	simm.s32 $0x50;
	v14 =	vld [tilespmem:s23+$0xFFFFFFC0];
	v8 =	vmov s29;
	v9 =	vmov s30;
	vm9 =	vgt.u32 v15, $0x7FF  }
0x33: {  	v18 =	vld [tilespmem:s23+$0xFFFFFFE0];
	vm11 =	vgt.u32 v17, $0x7FF;
	vm4 =	vgt.u32 v8, $0x7FF;
	v8 =	vmov s1  }
0x34: {  	v15 =	vadd.s32 s28, v4;
	vm5 =	vgt.u32 v9, $0x7FF;
	vm1 =	vgt.u32 v8, $0x7FF  }
0x35: {  	v16 =	vld [tilespmem:s23+$0x20];
	v8 =	vor.u32 s30, v3;
	v20 =	vsel vm4, v10, v11;
	v10 =	vadd.s32 s30, v4  }
0x36: {  	v10 =	vsel vm5, v10, v8;
	v8 =	vor.u32 s28, v3;
	v12 =	vsub.s32 v12, v0  }
0x37: {  	v25 =	vld [tilespmem:s23+$0x30];
	v17 =	vor.u32 s26, v3;
	vm10 =	vlt.u32 v12, $0xC0;
	v27 =	vsel vm2, v15, v8  }
0x38: {  	v15 =	vsub.s32 v13, v0;
	v13 =	vsub.s32 v14, v0;
	v14 =	vsub.s32 v18, v0  }
0x39: {  	v26 =	vsel vm3, v19, v17;
	v17 =	vld [tilespmem:s23+$0x10];
	v8 =	vnsel vm10, $0x0, v12;
	vm8 =	vlt.u32 v14, $0xC0  }
0x3a: {  	v12 =	vsub.s32 v16, v0;
	vm4 =	vlt.u32 v13, $0xC0;
	v19 =	vnsel vm8, $0x0, v14  }
0x3b: {  	v28 =	vld [tilespmem:s23+$0xFFFFFFF0];
	v24 =	vor.u32 s25, v3;
	vm5 =	vlt.u32 v12, $0xC0;
	v13 =	vnsel vm4, $0x0, v13  }
0x3c: {  	v21 =	vor.u32 s31, v3;
	v16 =	vnsel vm5, $0x0, v12;
	v12 =	vsub.s32 v25, v0  }
0x3d: {  	v61 =	vadd.s32 s31, v4;
	v9 =	vor.u32 s1, v3;
	vm6 =	vlt.u32 v12, $0xC0  }
0x3e: {  	v21 =	vsel vm11, v61, v21;
	v14 =	vsub.s32 v17, v0;
	v17 =	vnsel vm6, $0x0, v12;
	[tilespmem:v8+s16+$0x0] =	vst.idx.msk vm10, v26  }
0x3f: {  	vm11 =	vgt.u32 v62, $0x7FF;
	v22 =	vsel vm9, v22, v24;
	vm2 =	vlt.u32 v14, $0xC0;
	[tilespmem:v19+s16+$0x0] =	vst.idx.msk vm8, v20  }
0x40: {  	v18 =	vsub.s32 v28, v0;
	vm3 =	vlt.u32 v15, $0xC0;
	v12 =	vnsel vm2, $0x0, v14;
	v14 =	vld [tilespmem:s13+$0x0];
	[tilespmem:v13+s16+$0x0] =	vst.idx.msk vm4, v21  }
0x41: {  	s24 =	simm.s32 $0xF0;
	v11 =	vadd.s32 s1, v4;
	vm7 =	vlt.u32 v18, $0xC0;
	v15 =	vnsel vm3, $0x0, v15;
	[tilespmem:v16+s16+$0x0] =	vst.idx.msk vm5, v27;
	v21 =	vld [tilespmem:s13+$0xFFFFFFE0]  }
0x42: {  	s25 =	simm.s32 $0xC0;
	s26 =	simm.s32 $0x10C0;
	s23 =	simm.s32 $0x0;
	v23 =	vsel vm11, v23, v63;
	vm9 =	vmmov vm10;
	v18 =	vnsel vm7, $0x0, v18;
	v20 =	vld [tilespmem:s13+$0x20]  }
.LBB2_4:
0x43: {  	s30 =	sadd.s32 $0xFFFFFFC0, s24;
	s29 =	sadd.s32 $0xFFFFFFD0, s24;
	v24 =	vld [tilespmem:s25+$0x0];
	s31 =	sadd.s32 $0xFFFFFFF0, s24;
	v25 =	vadd.s32 s24, v4;
	v9 =	vsel vm1, v11, v9;
	[tilespmem:v17+s16+$0x0] =	vst.idx.msk vm6, v23  }
0x44: {  	s28 =	sadd.s32 $0xFFFFFFB0, s24;
	s23 =	sadd.s32 $0x8, s23;
	v23 =	vld [tilespmem:s25+$0xFFFFFFD0];
	v26 =	vadd.s32 s30, v4;
	v11 =	vmov s29;
	v27 =	vmov s31  }
0x45: {  	v28 =	vadd.s32 s28, v4;
	p0 =	slt.u32 s23, $0xF8;
	vm12 =	vgt.u32 v11, $0x7FF;
	vm11 =	vgt.u32 v27, $0x7FF;
	v27 =	vld [tilespmem:s13+$0xFFFFFFC0];
	[tilespmem:v12+s16+$0x0] =	vst.idx.msk vm2, v9  }
0x46: {  	s1 =	sadd.s32 $0xFFFFFFA0, s24;
	s0 =	sadd.s32 $0xFFFFFFE0, s24;
	v29 =	vor.u32 s30, v3;
	v9 =	vmov s28;
	v11 =	vor.u32 s28, v3;
	[tilespmem:v15+s16+$0x0] =	vst.idx.msk vm3, v10;
	v30 =	vld [tilespmem:s13+$0x30]  }
0x47: {  	v31 =	vmov s0;
	v10 =	vmov s1;
	vm10 =	vgt.u32 v9, $0x7FF;
	v32 =	vld [tilespmem:s13+$0xFFFFFFD0];
	[tilespmem:v18+s16+$0x0] =	vst.idx.msk vm7, v22  }
0x48: {  	vm1 =	vgt.u32 v31, $0x7FF;
	v9 =	vor.u32 s0, v3;
	vm13 =	vgt.u32 v10, $0x7FF;
	[tilespmem:v19+s17+$0x0] =	vst.idx.msk vm8, v21;
	v19 =	vld [tilespmem:s13+$0xFFFFFFF0]  }
0x49: {  	s28 =	sadd.s32 $0xFFFFFF90, s24;
	v10 =	vor.u32 s1, v3;
	v22 =	vsel vm10, v28, v11;
	v11 =	vadd.s32 s0, v4;
	v21 =	vld [tilespmem:s25+$0xFFFFFFC0];
	[tilespmem:v16+s17+$0x0] =	vst.idx.msk vm5, v20  }
0x4a: {  	v28 =	vmov s30;
	v20 =	vor.u32 s28, v3;
	v16 =	vadd.s32 s1, v4;
	v31 =	vld [tilespmem:s25+$0x20]  }
0x4b: {  	v33 =	vmov s28;
	vm10 =	vgt.u32 v28, $0x7FF;
	v10 =	vsel vm13, v16, v10;
	v16 =	vld [tilespmem:s25+$0xFFFFFFE0];
	[tilespmem:v13+s17+$0x0] =	vst.idx.msk vm4, v27  }
0x4c: {  	vm13 =	vgt.u32 v33, $0x7FF;
	v13 =	vor.u32 s31, v3;
	v27 =	vadd.s32 s31, v4;
	v28 =	vld [tilespmem:s13+$0x10];
	[tilespmem:v17+s17+$0x0] =	vst.idx.msk vm6, v30;
	s13 =	smov.u32 s26  }
0x4d: {  	v17 =	vsub.s32 v24, v0;
	v24 =	vor.u32 s29, v3;
	v30 =	vadd.s32 s29, v4;
	v33 =	vld [tilespmem:s25+$0x30];
	[tilespmem:v18+s17+$0x0] =	vst.idx.msk vm7, v19  }
0x4e: {  	v27 =	vsel vm11, v27, v13;
	vm14 =	vlt.u32 v17, $0xC0;
	v18 =	vsel vm12, v30, v24;
	v24 =	vld [tilespmem:s25+$0x10];
	[tilespmem:v15+s17+$0x0] =	vst.idx.msk vm3, v32  }
0x4f: {  	v15 =	vsub.s32 v23, v0;
	v23 =	vld [tilespmem:s25+$0xFFFFFFF0];
	v13 =	vsub.s32 v31, v0;
	[tilespmem:v8+s17+$0x0] =	vst.idx.msk vm9, v14;
	v8 =	vnsel vm14, $0x0, v17  }
0x50: {  	v14 =	vsub.s32 v21, v0;
	v17 =	vsub.s32 v16, v0;
	vm5 =	vlt.u32 v13, $0xC0  }
0x51: {  	vm4 =	vlt.u32 v14, $0xC0;
	vm8 =	vlt.u32 v17, $0xC0;
	v16 =	vnsel vm5, $0x0, v13;
	[tilespmem:v12+s17+$0x0] =	vst.idx.msk vm2, v28  }
0x52: {  	v13 =	vnsel vm4, $0x0, v14;
	v19 =	vnsel vm8, $0x0, v17;
	v12 =	vsub.s32 v33, v0  }
0x53: {  	vm3 =	vlt.u32 v15, $0xC0;
	v21 =	vsub.s32 v24, v0;
	vm6 =	vlt.u32 v12, $0xC0  }
.Ltmp1:
0x54: {  	v23 =	vsub.s32 v23, v0;
	[tilespmem:v8+s16+$0x0] =	vst.idx.msk vm14, v18;
	vm2 =	vlt.u32 v21, $0xC0;
	v17 =	vnsel vm6, $0x0, v12;
	(pc) =	sbr.rel @p0 .LBB2_4-.Ltmp1, $4  }
0x55: {  	v15 =	vnsel vm3, $0x0, v15;
	vm7 =	vlt.u32 v23, $0xC0;
	v14 =	vld [tilespmem:s26+$0x0];
	v12 =	vnsel vm2, $0x0, v21  }
0x56: {  	v21 =	vadd.s32 s28, v4;
	v18 =	vnsel vm7, $0x0, v23;
	[tilespmem:v16+s16+$0x0] =	vst.idx.msk vm5, v27;
	v23 =	vmov s24  }
0x57: {  	v24 =	vor.u32 s24, v3;
	v21 =	vsel vm13, v21, v20;
	[tilespmem:v19+s16+$0x0] =	vst.idx.msk vm8, v22;
	v20 =	vld [tilespmem:s26+$0x20];
	vm9 =	vgt.u32 v23, $0x7FF  }
0x58: {  	s25 =	sadd.s32 $0x80, s25;
	s24 =	sadd.s32 $0x80, s24;
	v22 =	vsel vm10, v26, v29;
	s26 =	sadd.s32 $0x80, s26;
	[tilespmem:v13+s16+$0x0] =	vst.idx.msk vm4, v21;
	v21 =	vld [tilespmem:s13+$0xFFFFFFE0];
	v23 =	vsel vm9, v25, v24;
	vm9 =	vmmov vm14  }
0x59: {  	_ =	sdelay $0x4  }
0x5a: {  	[tilespmem:v17+s16+$0x0] =	vst.idx.msk vm6, v23  }
0x5b: {  	[tilespmem:v18+s16+$0x0] =	vst.idx.msk vm7, v22  }
0x5c: {  	v9 =	vsel vm1, v11, v9;
	v32 =	vld [tilespmem:s13+$0xFFFFFFC0];
	[tilespmem:v15+s16+$0x0] =	vst.idx.msk vm3, v10  }
0x5d: {  	[tilespmem:v12+s16+$0x0] =	vst.idx.msk vm2, v9;
	v33 =	vld [tilespmem:s13+$0x30]  }
0x5e: {  	v34 =	vld [tilespmem:s13+$0xFFFFFFF0];
	[tilespmem:v8+s17+$0x0] =	vst.idx.msk vm9, v14  }
0x5f: {  	v35 =	vld [tilespmem:s13+$0xFFFFFFD0];
	[tilespmem:v16+s17+$0x0] =	vst.idx.msk vm5, v20  }
0x60: {  	v36 =	vld [tilespmem:s13+$0x10];
	[tilespmem:v19+s17+$0x0] =	vst.idx.msk vm8, v21  }
0x61: {  	[tilespmem:v13+s17+$0x0] =	vst.idx.msk vm4, v32  }
0x62: {  	[tilespmem:v17+s17+$0x0] =	vst.idx.msk vm6, v33  }
0x63: {  	[tilespmem:v18+s17+$0x0] =	vst.idx.msk vm7, v34  }
0x64: {  	[tilespmem:v15+s17+$0x0] =	vst.idx.msk vm3, v35  }
0x65: {  	[tilespmem:v12+s17+$0x0] =	vst.idx.msk vm2, v36  }
0x66: {  	s0 =	rddreg [dreg:$0x6]  }
0x67: {  	[hbm4b:s0+s3] =	stream.linear.scatter [tilespmem:s17], [sflag:$0x2], $0xC0, $0x38;
	[tilespmem:$0x1A300] =	vst v63  }
0x68: {  	_ =	swait.ge [sflag:s14], $0xC0  }
0x69: {  	[sflag:s14] =	ssyncset.done $0x0  }
0x6a: {  	s30 =	rddreg [dreg:$0x7];
	[sflag:s14] =	ssyncadd.s32 $0xFFFFFF40  }
0x6b: {  	[hbm4b:s30+s3] =	stream.linear.scatter [tilespmem:s16], [sflag:$0x2], $0xC0, $0x38;
	[tilespmem:$0x1A300] =	vst v63  }
0x6c: {  	_ =	swait.ge [sflag:s14], $0xC0  }
0x6d: {  	[sflag:s14] =	ssyncset.done $0x0  }
0x6e: {  	[sflag:s14] =	ssyncadd.s32 $0xFFFFFF40  }
0x6f: {  	v8 =	vld [tilespmem:$0x2000];
	_ =	sdelay $0x4  }
0x70: {  	v37 =	vshrl.u32 v8, $0x3  }
0x71: {  	v9 =	vmul.u32 $0x30, v37  }
0x72: {  	v38 =	vand.u32 $0x7, v8  }
0x73: {  	v39 =	vld [tilespmem:$0x2010];
	v9 =	vor.u32 v38, v9  }
0x74: {  	v40 =	vld [tilespmem:$0x2020];
	v41 =	vperm.xlane v9, v5  }
0x75: {  	v42 =	vld [tilespmem:$0x2030]  }
0x76: {  	v12 =	vadd.s32 v6, v41  }
0x77: {  	[tilespmem:$0x2200] =	vst v8  }
0x78: {  	[tilespmem:$0x2210] =	vst v39  }
0x79: {  	[tilespmem:$0x2220] =	vst v40  }
0x7a: {  	[tilespmem:$0x2230] =	vst v42;
	v8 =	vperm.xlane v9, v7  }
0x7b: {  	[tilespmem:s12], [sflag:$0x1] =	stream.indirect_vreg.gather [hbm4b:s2+s3], $0x80, v12, vm0, $0xb8;
	[tilespmem:$0x1A300] =	vst v63  }
0x7c: {  	s31 =	simm.s32 $0x2B00;
	v8 =	vadd.s32 v6, v8  }
0x7d: {  	[tilespmem:s31], [sflag:$0x1] =	stream.indirect_vreg.gather [hbm4b:s8+s3], $0x80, v12, vm0, $0xb8;
	[tilespmem:$0x1A300] =	vst v63  }
0x7e: {  	s13 =	simm.s32 $0x3300  }
0x7f: {  	[tilespmem:s13], [sflag:$0x1] =	stream.indirect_vreg.gather [hbm4b:s9+s3], $0x80, v12, vm0, $0xb8;
	[tilespmem:$0x1A300] =	vst v63  }
0x80: {  	s23 =	simm.s32 $0x3B00  }
0x81: {  	[tilespmem:s23], [sflag:$0x1] =	stream.indirect_vreg.gather [hbm4b:s2+s3], $0x80, v8, vm0, $0xb8;
	[tilespmem:$0x1A300] =	vst v63  }
0x82: {  	s24 =	simm.s32 $0x4300  }
0x83: {  	[tilespmem:s24], [sflag:$0x1] =	stream.indirect_vreg.gather [hbm4b:s8+s3], $0x80, v8, vm0, $0xb8;
	[tilespmem:$0x1A300] =	vst v63  }
0x84: {  	s25 =	simm.s32 $0x4B00  }
0x85: {  	[tilespmem:s25], [sflag:$0x1] =	stream.indirect_vreg.gather [hbm4b:s9+s3], $0x80, v8, vm0, $0xb8;
	[tilespmem:$0x1A300] =	vst v63  }
0x86: {  	v8 =	vld [tilespmem:$0x2210];
	_ =	sdelay $0x4  }
0x87: {  	v43 =	vshrl.u32 v8, $0x3  }
0x88: {  	v9 =	vmul.u32 $0x30, v43  }
0x89: {  	v8 =	vand.u32 $0x7, v8  }
0x8a: {  	v8 =	vor.u32 v8, v9  }
0x8b: {  	v9 =	vperm.xlane v8, v5;
	_ =	sdelay $0x1  }
0x8c: {  	v9 =	vadd.s32 v6, v9;
	_ =	sdelay $0x3  }
0x8d: {  	s26 =	simm.s32 $0x5300;
	v8 =	vperm.xlane v8, v7  }
0x8e: {  	[tilespmem:s26], [sflag:$0x1] =	stream.indirect_vreg.gather [hbm4b:s2+s3], $0x80, v9, vm0, $0xb8;
	[tilespmem:$0x1A300] =	vst v63  }
0x8f: {  	s28 =	simm.s32 $0x5B00;
	v8 =	vadd.s32 v6, v8  }
0x90: {  	[tilespmem:s28], [sflag:$0x1] =	stream.indirect_vreg.gather [hbm4b:s8+s3], $0x80, v9, vm0, $0xb8;
	[tilespmem:$0x1A300] =	vst v63  }
0x91: {  	s29 =	simm.s32 $0x6300  }
0x92: {  	[tilespmem:s29], [sflag:$0x1] =	stream.indirect_vreg.gather [hbm4b:s9+s3], $0x80, v9, vm0, $0xb8;
	[tilespmem:$0x1A300] =	vst v63  }
0x93: {  	s30 =	simm.s32 $0x6B00  }
0x94: {  	[tilespmem:s30], [sflag:$0x1] =	stream.indirect_vreg.gather [hbm4b:s2+s3], $0x80, v8, vm0, $0xb8;
	[tilespmem:$0x1A300] =	vst v63  }
0x95: {  	s31 =	simm.s32 $0x7300  }
0x96: {  	[tilespmem:s31], [sflag:$0x1] =	stream.indirect_vreg.gather [hbm4b:s8+s3], $0x80, v8, vm0, $0xb8;
	[tilespmem:$0x1A300] =	vst v63  }
0x97: {  	_ = 	snop  }
0x98: {  	[tilespmem:s15], [sflag:$0x1] =	stream.indirect_vreg.gather [hbm4b:s9+s3], $0x80, v8, vm0, $0xb8;
	[tilespmem:$0x1A300] =	vst v63  }
0x99: {  	v8 =	vld [tilespmem:$0x2220];
	_ =	sdelay $0x4  }
0x9a: {  	v44 =	vshrl.u32 v8, $0x3  }
0x9b: {  	v9 =	vmul.u32 $0x30, v44  }
0x9c: {  	v8 =	vand.u32 $0x7, v8  }
0x9d: {  	v8 =	vor.u32 v8, v9  }
0x9e: {  	v9 =	vperm.xlane v8, v5;
	_ =	sdelay $0x1  }
0x9f: {  	v9 =	vadd.s32 v6, v9;
	_ =	sdelay $0x3  }
0xa0: {  	s1 =	simm.s32 $0x8300;
	v8 =	vperm.xlane v8, v7  }
0xa1: {  	[tilespmem:s1], [sflag:$0x1] =	stream.indirect_vreg.gather [hbm4b:s2+s3], $0x80, v9, vm0, $0xb8;
	[tilespmem:$0x1A300] =	vst v63  }
0xa2: {  	v8 =	vadd.s32 v6, v8  }
0xa3: {  	[tilespmem:s5], [sflag:$0x1] =	stream.indirect_vreg.gather [hbm4b:s8+s3], $0x80, v9, vm0, $0xb8;
	[tilespmem:$0x1A300] =	vst v63  }
0xa4: {  	_ = 	snop  }
0xa5: {  	[tilespmem:s6], [sflag:$0x1] =	stream.indirect_vreg.gather [hbm4b:s9+s3], $0x80, v9, vm0, $0xb8;
	[tilespmem:$0x1A300] =	vst v63  }
0xa6: {  	_ = 	snop  }
0xa7: {  	[tilespmem:s7], [sflag:$0x1] =	stream.indirect_vreg.gather [hbm4b:s2+s3], $0x80, v8, vm0, $0xb8;
	[tilespmem:$0x1A300] =	vst v63  }
0xa8: {  	_ = 	snop  }
0xa9: {  	[tilespmem:s19], [sflag:$0x1] =	stream.indirect_vreg.gather [hbm4b:s8+s3], $0x80, v8, vm0, $0xb8;
	[tilespmem:$0x1A300] =	vst v63  }
0xaa: {  	_ = 	snop  }
0xab: {  	[tilespmem:s10], [sflag:$0x1] =	stream.indirect_vreg.gather [hbm4b:s9+s3], $0x80, v8, vm0, $0xb8;
	[tilespmem:$0x1A300] =	vst v63  }
0xac: {  	v8 =	vld [tilespmem:$0x2230];
	_ =	sdelay $0x4  }
0xad: {  	v45 =	vshrl.u32 v8, $0x3  }
0xae: {  	v9 =	vmul.u32 $0x30, v45  }
0xaf: {  	v8 =	vand.u32 $0x7, v8  }
0xb0: {  	v8 =	vor.u32 v8, v9  }
0xb1: {  	v9 =	vperm.xlane v8, v5;
	_ =	sdelay $0x1  }
0xb2: {  	v9 =	vadd.s32 v6, v9;
	_ =	sdelay $0x3  }
0xb3: {  	v8 =	vperm.xlane v8, v7  }
0xb4: {  	[tilespmem:s20], [sflag:$0x1] =	stream.indirect_vreg.gather [hbm4b:s2+s3], $0x80, v9, vm0, $0xb8;
	[tilespmem:$0x1A300] =	vst v63  }
0xb5: {  	v8 =	vadd.s32 v6, v8  }
0xb6: {  	[tilespmem:s11], [sflag:$0x1] =	stream.indirect_vreg.gather [hbm4b:s8+s3], $0x80, v9, vm0, $0xb8;
	[tilespmem:$0x1A300] =	vst v63  }
0xb7: {  	_ = 	snop  }
0xb8: {  	[tilespmem:s21], [sflag:$0x1] =	stream.indirect_vreg.gather [hbm4b:s9+s3], $0x80, v9, vm0, $0xb8;
	[tilespmem:$0x1A300] =	vst v63  }
0xb9: {  	_ = 	snop  }
0xba: {  	[tilespmem:s18], [sflag:$0x1] =	stream.indirect_vreg.gather [hbm4b:s2+s3], $0x80, v8, vm0, $0xb8;
	[tilespmem:$0x1A300] =	vst v63  }
0xbb: {  	s1 =	simm.s32 $0xD300  }
0xbc: {  	[tilespmem:s1], [sflag:$0x1] =	stream.indirect_vreg.gather [hbm4b:s8+s3], $0x80, v8, vm0, $0xb8;
	[tilespmem:$0x1A300] =	vst v63  }
0xbd: {  	s1 =	simm.s32 $0xDB00  }
0xbe: {  	[tilespmem:s1], [sflag:$0x1] =	stream.indirect_vreg.gather [hbm4b:s9+s3], $0x80, v8, vm0, $0xb8;
	[tilespmem:$0x1A300] =	vst v63  }
0xbf: {  	v8 =	vld [tilespmem:$0x2040];
	_ =	sdelay $0x4  }
0xc0: {  	v46 =	vshrl.u32 v8, $0x3  }
0xc1: {  	v9 =	vmul.u32 $0x30, v46  }
0xc2: {  	v47 =	vand.u32 $0x7, v8  }
0xc3: {  	v48 =	vld [tilespmem:$0x2050];
	v9 =	vor.u32 v47, v9  }
0xc4: {  	v49 =	vld [tilespmem:$0x2060];
	v50 =	vperm.xlane v9, v5  }
0xc5: {  	v51 =	vld [tilespmem:$0x2070]  }
0xc6: {  	v12 =	vadd.s32 v6, v50  }
0xc7: {  	[tilespmem:$0x2280] =	vst v8  }
0xc8: {  	[tilespmem:$0x2290] =	vst v48  }
0xc9: {  	[tilespmem:$0x22A0] =	vst v49  }
0xca: {  	[tilespmem:$0x22B0] =	vst v51;
	v8 =	vperm.xlane v9, v7  }
0xcb: {  	[tilespmem:s4], [sflag:$0x1] =	stream.indirect_vreg.gather [hbm4b:s2+s3], $0x80, v12, vm0, $0xb8;
	[tilespmem:$0x1A300] =	vst v63  }
0xcc: {  	s1 =	simm.s32 $0xEB00;
	v8 =	vadd.s32 v6, v8  }
0xcd: {  	[tilespmem:s1], [sflag:$0x1] =	stream.indirect_vreg.gather [hbm4b:s8+s3], $0x80, v12, vm0, $0xb8;
	[tilespmem:$0x1A300] =	vst v63  }
0xce: {  	s1 =	simm.s32 $0xF300  }
0xcf: {  	[tilespmem:s1], [sflag:$0x1] =	stream.indirect_vreg.gather [hbm4b:s9+s3], $0x80, v12, vm0, $0xb8;
	[tilespmem:$0x1A300] =	vst v63  }
0xd0: {  	s1 =	simm.s32 $0xFB00  }
0xd1: {  	[tilespmem:s1], [sflag:$0x1] =	stream.indirect_vreg.gather [hbm4b:s2+s3], $0x80, v8, vm0, $0xb8;
	[tilespmem:$0x1A300] =	vst v63  }
0xd2: {  	s1 =	simm.s32 $0x10300  }
0xd3: {  	[tilespmem:s1], [sflag:$0x1] =	stream.indirect_vreg.gather [hbm4b:s8+s3], $0x80, v8, vm0, $0xb8;
	[tilespmem:$0x1A300] =	vst v63  }
0xd4: {  	s1 =	simm.s32 $0x10B00  }
0xd5: {  	[tilespmem:s1], [sflag:$0x1] =	stream.indirect_vreg.gather [hbm4b:s9+s3], $0x80, v8, vm0, $0xb8;
	[tilespmem:$0x1A300] =	vst v63  }
0xd6: {  	v8 =	vld [tilespmem:$0x2290];
	_ =	sdelay $0x4  }
0xd7: {  	v52 =	vshrl.u32 v8, $0x3  }
0xd8: {  	v9 =	vmul.u32 $0x30, v52  }
0xd9: {  	v8 =	vand.u32 $0x7, v8  }
0xda: {  	v8 =	vor.u32 v8, v9  }
0xdb: {  	v9 =	vperm.xlane v8, v5;
	_ =	sdelay $0x1  }
0xdc: {  	v9 =	vadd.s32 v6, v9;
	_ =	sdelay $0x3  }
0xdd: {  	s1 =	simm.s32 $0x11300;
	v8 =	vperm.xlane v8, v7  }
0xde: {  	[tilespmem:s1], [sflag:$0x1] =	stream.indirect_vreg.gather [hbm4b:s2+s3], $0x80, v9, vm0, $0xb8;
	[tilespmem:$0x1A300] =	vst v63  }
0xdf: {  	v8 =	vadd.s32 v6, v8;
	s1 =	simm.s32 $0x11B00  }
0xe0: {  	[tilespmem:s1], [sflag:$0x1] =	stream.indirect_vreg.gather [hbm4b:s8+s3], $0x80, v9, vm0, $0xb8;
	[tilespmem:$0x1A300] =	vst v63  }
0xe1: {  	s1 =	simm.s32 $0x12300  }
0xe2: {  	[tilespmem:s1], [sflag:$0x1] =	stream.indirect_vreg.gather [hbm4b:s9+s3], $0x80, v9, vm0, $0xb8;
	[tilespmem:$0x1A300] =	vst v63  }
0xe3: {  	s1 =	simm.s32 $0x12B00  }
0xe4: {  	[tilespmem:s1], [sflag:$0x1] =	stream.indirect_vreg.gather [hbm4b:s2+s3], $0x80, v8, vm0, $0xb8;
	[tilespmem:$0x1A300] =	vst v63  }
0xe5: {  	s1 =	simm.s32 $0x13300  }
0xe6: {  	[tilespmem:s1], [sflag:$0x1] =	stream.indirect_vreg.gather [hbm4b:s8+s3], $0x80, v8, vm0, $0xb8;
	[tilespmem:$0x1A300] =	vst v63  }
0xe7: {  	s1 =	simm.s32 $0x13B00  }
0xe8: {  	[tilespmem:s1], [sflag:$0x1] =	stream.indirect_vreg.gather [hbm4b:s9+s3], $0x80, v8, vm0, $0xb8;
	[tilespmem:$0x1A300] =	vst v63  }
0xe9: {  	v8 =	vld [tilespmem:$0x22A0];
	_ =	sdelay $0x4  }
0xea: {  	v53 =	vshrl.u32 v8, $0x3  }
0xeb: {  	v9 =	vmul.u32 $0x30, v53  }
0xec: {  	v8 =	vand.u32 $0x7, v8  }
0xed: {  	v8 =	vor.u32 v8, v9  }
0xee: {  	v9 =	vperm.xlane v8, v5;
	_ =	sdelay $0x1  }
0xef: {  	v9 =	vadd.s32 v6, v9;
	_ =	sdelay $0x3  }
0xf0: {  	s1 =	simm.s32 $0x14300;
	v8 =	vperm.xlane v8, v7  }
0xf1: {  	[tilespmem:s1], [sflag:$0x1] =	stream.indirect_vreg.gather [hbm4b:s2+s3], $0x80, v9, vm0, $0xb8;
	[tilespmem:$0x1A300] =	vst v63  }
0xf2: {  	v8 =	vadd.s32 v6, v8;
	s1 =	simm.s32 $0x14B00  }
0xf3: {  	[tilespmem:s1], [sflag:$0x1] =	stream.indirect_vreg.gather [hbm4b:s8+s3], $0x80, v9, vm0, $0xb8;
	[tilespmem:$0x1A300] =	vst v63  }
0xf4: {  	s1 =	simm.s32 $0x15300  }
0xf5: {  	[tilespmem:s1], [sflag:$0x1] =	stream.indirect_vreg.gather [hbm4b:s9+s3], $0x80, v9, vm0, $0xb8;
	[tilespmem:$0x1A300] =	vst v63  }
0xf6: {  	s1 =	simm.s32 $0x15B00  }
0xf7: {  	[tilespmem:s1], [sflag:$0x1] =	stream.indirect_vreg.gather [hbm4b:s2+s3], $0x80, v8, vm0, $0xb8;
	[tilespmem:$0x1A300] =	vst v63  }
0xf8: {  	s1 =	simm.s32 $0x16300  }
0xf9: {  	[tilespmem:s1], [sflag:$0x1] =	stream.indirect_vreg.gather [hbm4b:s8+s3], $0x80, v8, vm0, $0xb8;
	[tilespmem:$0x1A300] =	vst v63  }
0xfa: {  	s1 =	simm.s32 $0x16B00  }
0xfb: {  	[tilespmem:s1], [sflag:$0x1] =	stream.indirect_vreg.gather [hbm4b:s9+s3], $0x80, v8, vm0, $0xb8;
	[tilespmem:$0x1A300] =	vst v63  }
0xfc: {  	v8 =	vld [tilespmem:$0x22B0];
	_ =	sdelay $0x4  }
0xfd: {  	v54 =	vshrl.u32 v8, $0x3  }
0xfe: {  	v9 =	vmul.u32 $0x30, v54  }
0xff: {  	v8 =	vand.u32 $0x7, v8  }
0x100: {  	v8 =	vor.u32 v8, v9  }
0x101: {  	v9 =	vperm.xlane v8, v5;
	_ =	sdelay $0x1  }
0x102: {  	v9 =	vadd.s32 v6, v9;
	_ =	sdelay $0x3  }
0x103: {  	s1 =	simm.s32 $0x17300;
	v8 =	vperm.xlane v8, v7  }
0x104: {  	[tilespmem:s1], [sflag:$0x1] =	stream.indirect_vreg.gather [hbm4b:s2+s3], $0x80, v9, vm0, $0xb8;
	[tilespmem:$0x1A300] =	vst v63  }
0x105: {  	v8 =	vadd.s32 v6, v8;
	s1 =	simm.s32 $0x17B00  }
0x106: {  	[tilespmem:s1], [sflag:$0x1] =	stream.indirect_vreg.gather [hbm4b:s8+s3], $0x80, v9, vm0, $0xb8;
	[tilespmem:$0x1A300] =	vst v63  }
0x107: {  	s1 =	simm.s32 $0x18300  }
0x108: {  	[tilespmem:s1], [sflag:$0x1] =	stream.indirect_vreg.gather [hbm4b:s9+s3], $0x80, v9, vm0, $0xb8;
	[tilespmem:$0x1A300] =	vst v63  }
0x109: {  	s1 =	simm.s32 $0x18B00  }
0x10a: {  	[tilespmem:s1], [sflag:$0x1] =	stream.indirect_vreg.gather [hbm4b:s2+s3], $0x80, v8, vm0, $0xb8;
	[tilespmem:$0x1A300] =	vst v63  }
0x10b: {  	s1 =	simm.s32 $0x19300  }
0x10c: {  	[tilespmem:s1], [sflag:$0x1] =	stream.indirect_vreg.gather [hbm4b:s8+s3], $0x80, v8, vm0, $0xb8;
	[tilespmem:$0x1A300] =	vst v63  }
0x10d: {  	s1 =	simm.s32 $0x19B00  }
0x10e: {  	[tilespmem:s1], [sflag:$0x1] =	stream.indirect_vreg.gather [hbm4b:s9+s3], $0x80, v8, vm0, $0xb8;
	[tilespmem:$0x1A300] =	vst v63  }
0x10f: {  	s1 =	simm.s32 $0x1  }
0x110: {  	_ =	swait.ge [sflag:s1], $0xC000  }
0x111: {  	[sflag:s1] =	ssyncset.done $0x0  }
0x112: {  	s0 =	rddreg [dreg:$0x8];
	[sflag:s1] =	ssyncadd.s32 $0xFFFF4000  }
0x113: {  	[hbm4b:s0+s3] =	stream.linear.scatter [tilespmem:s12], [sflag:$0x2], $0xC000, $0x38;
	[tilespmem:$0x1A300] =	vst v63  }
0x114: {  	_ =	swait.ge [sflag:s14], $0xC000  }
0x115: {  	[sflag:s14] =	ssyncset.done $0x0  }
0x116: {  	[sflag:s14] =	ssyncadd.s32 $0xFFFF4000  }
0x117: {  	v8 =	vld [tilespmem:$0x2080];
	_ =	sdelay $0x4  }
0x118: {  	v55 =	vshrl.u32 v8, $0x3  }
0x119: {  	v9 =	vmul.u32 $0x30, v55  }
0x11a: {  	v56 =	vand.u32 $0x7, v8  }
0x11b: {  	v57 =	vld [tilespmem:$0x2090];
	v9 =	vor.u32 v56, v9  }
0x11c: {  	v58 =	vld [tilespmem:$0x20A0];
	v59 =	vperm.xlane v9, v5  }
0x11d: {  	v60 =	vld [tilespmem:$0x20B0]  }
0x11e: {  	v12 =	vadd.s32 v6, v59  }
0x11f: {  	[tilespmem:$0x2200] =	vst v8  }
0x120: {  	[tilespmem:$0x2210] =	vst v57  }
0x121: {  	[tilespmem:$0x2220] =	vst v58  }
0x122: {  	[tilespmem:$0x2230] =	vst v60;
	v8 =	vperm.xlane v9, v7  }
0x123: {  	[tilespmem:s12], [sflag:$0x1] =	stream.indirect_vreg.gather [hbm4b:s2+s3], $0x80, v12, vm0, $0xb8;
	[tilespmem:$0x1A300] =	vst v63  }
0x124: {  	s0 =	simm.s32 $0x2B00;
	v8 =	vadd.s32 v6, v8  }
0x125: {  	[tilespmem:s0], [sflag:$0x1] =	stream.indirect_vreg.gather [hbm4b:s8+s3], $0x80, v12, vm0, $0xb8;
	[tilespmem:$0x1A300] =	vst v63  }
0x126: {  	_ = 	snop  }
0x127: {  	[tilespmem:s13], [sflag:$0x1] =	stream.indirect_vreg.gather [hbm4b:s9+s3], $0x80, v12, vm0, $0xb8;
	[tilespmem:$0x1A300] =	vst v63  }
0x128: {  	_ = 	snop  }
0x129: {  	[tilespmem:s23], [sflag:$0x1] =	stream.indirect_vreg.gather [hbm4b:s2+s3], $0x80, v8, vm0, $0xb8;
	[tilespmem:$0x1A300] =	vst v63  }
0x12a: {  	_ = 	snop  }
0x12b: {  	[tilespmem:s24], [sflag:$0x1] =	stream.indirect_vreg.gather [hbm4b:s8+s3], $0x80, v8, vm0, $0xb8;
	[tilespmem:$0x1A300] =	vst v63  }
0x12c: {  	_ = 	snop  }
0x12d: {  	[tilespmem:s25], [sflag:$0x1] =	stream.indirect_vreg.gather [hbm4b:s9+s3], $0x80, v8, vm0, $0xb8;
	[tilespmem:$0x1A300] =	vst v63  }
0x12e: {  	v8 =	vld [tilespmem:$0x2210];
	_ =	sdelay $0x4  }
0x12f: {  	v61 =	vshrl.u32 v8, $0x3  }
0x130: {  	v9 =	vmul.u32 $0x30, v61  }
0x131: {  	v8 =	vand.u32 $0x7, v8  }
0x132: {  	v8 =	vor.u32 v8, v9  }
0x133: {  	v9 =	vperm.xlane v8, v5;
	_ =	sdelay $0x1  }
0x134: {  	v9 =	vadd.s32 v6, v9;
	_ =	sdelay $0x3  }
0x135: {  	v8 =	vperm.xlane v8, v7  }
0x136: {  	[tilespmem:s26], [sflag:$0x1] =	stream.indirect_vreg.gather [hbm4b:s2+s3], $0x80, v9, vm0, $0xb8;
	[tilespmem:$0x1A300] =	vst v63  }
0x137: {  	v8 =	vadd.s32 v6, v8  }
0x138: {  	[tilespmem:s28], [sflag:$0x1] =	stream.indirect_vreg.gather [hbm4b:s8+s3], $0x80, v9, vm0, $0xb8;
	[tilespmem:$0x1A300] =	vst v63  }
0x139: {  	_ = 	snop  }
0x13a: {  	[tilespmem:s29], [sflag:$0x1] =	stream.indirect_vreg.gather [hbm4b:s9+s3], $0x80, v9, vm0, $0xb8;
	[tilespmem:$0x1A300] =	vst v63  }
0x13b: {  	_ = 	snop  }
0x13c: {  	[tilespmem:s30], [sflag:$0x1] =	stream.indirect_vreg.gather [hbm4b:s2+s3], $0x80, v8, vm0, $0xb8;
	[tilespmem:$0x1A300] =	vst v63  }
0x13d: {  	_ = 	snop  }
0x13e: {  	[tilespmem:s31], [sflag:$0x1] =	stream.indirect_vreg.gather [hbm4b:s8+s3], $0x80, v8, vm0, $0xb8;
	[tilespmem:$0x1A300] =	vst v63  }
0x13f: {  	_ = 	snop  }
0x140: {  	[tilespmem:s15], [sflag:$0x1] =	stream.indirect_vreg.gather [hbm4b:s9+s3], $0x80, v8, vm0, $0xb8;
	[tilespmem:$0x1A300] =	vst v63  }
0x141: {  	v8 =	vld [tilespmem:$0x2220];
	_ =	sdelay $0x4  }
0x142: {  	v62 =	vshrl.u32 v8, $0x3  }
0x143: {  	v9 =	vmul.u32 $0x30, v62  }
0x144: {  	v8 =	vand.u32 $0x7, v8  }
0x145: {  	v8 =	vor.u32 v8, v9  }
0x146: {  	v9 =	vperm.xlane v8, v5;
	_ =	sdelay $0x1  }
0x147: {  	v9 =	vadd.s32 v6, v9;
	_ =	sdelay $0x3  }
0x148: {  	s25 =	simm.s32 $0x8300;
	v8 =	vperm.xlane v8, v7  }
0x149: {  	[tilespmem:s25], [sflag:$0x1] =	stream.indirect_vreg.gather [hbm4b:s2+s3], $0x80, v9, vm0, $0xb8;
	[tilespmem:$0x1A300] =	vst v63  }
0x14a: {  	v8 =	vadd.s32 v6, v8  }
0x14b: {  	[tilespmem:s5], [sflag:$0x1] =	stream.indirect_vreg.gather [hbm4b:s8+s3], $0x80, v9, vm0, $0xb8;
	[tilespmem:$0x1A300] =	vst v63  }
0x14c: {  	_ = 	snop  }
0x14d: {  	[tilespmem:s6], [sflag:$0x1] =	stream.indirect_vreg.gather [hbm4b:s9+s3], $0x80, v9, vm0, $0xb8;
	[tilespmem:$0x1A300] =	vst v63  }
0x14e: {  	_ = 	snop  }
0x14f: {  	[tilespmem:s7], [sflag:$0x1] =	stream.indirect_vreg.gather [hbm4b:s2+s3], $0x80, v8, vm0, $0xb8;
	[tilespmem:$0x1A300] =	vst v63  }
0x150: {  	_ = 	snop  }
0x151: {  	[tilespmem:s19], [sflag:$0x1] =	stream.indirect_vreg.gather [hbm4b:s8+s3], $0x80, v8, vm0, $0xb8;
	[tilespmem:$0x1A300] =	vst v63  }
0x152: {  	_ = 	snop  }
0x153: {  	[tilespmem:s10], [sflag:$0x1] =	stream.indirect_vreg.gather [hbm4b:s9+s3], $0x80, v8, vm0, $0xb8;
	[tilespmem:$0x1A300] =	vst v63  }
0x154: {  	v8 =	vld [tilespmem:$0x2230];
	_ =	sdelay $0x4  }
0x155: {  	v63 =	vshrl.u32 v8, $0x3  }
0x156: {  	v9 =	vmul.u32 $0x30, v63  }
0x157: {  	v8 =	vand.u32 $0x7, v8  }
0x158: {  	v8 =	vor.u32 v8, v9  }
0x159: {  	v9 =	vperm.xlane v8, v5;
	_ =	sdelay $0x1  }
0x15a: {  	v9 =	vadd.s32 v6, v9;
	_ =	sdelay $0x3  }
0x15b: {  	v8 =	vperm.xlane v8, v7  }
0x15c: {  	[tilespmem:s20], [sflag:$0x1] =	stream.indirect_vreg.gather [hbm4b:s2+s3], $0x80, v9, vm0, $0xb8;
	[tilespmem:$0x1A300] =	vst v63  }
0x15d: {  	v8 =	vadd.s32 v6, v8  }
0x15e: {  	[tilespmem:s11], [sflag:$0x1] =	stream.indirect_vreg.gather [hbm4b:s8+s3], $0x80, v9, vm0, $0xb8;
	[tilespmem:$0x1A300] =	vst v63  }
0x15f: {  	_ = 	snop  }
0x160: {  	[tilespmem:s21], [sflag:$0x1] =	stream.indirect_vreg.gather [hbm4b:s9+s3], $0x80, v9, vm0, $0xb8;
	[tilespmem:$0x1A300] =	vst v63  }
0x161: {  	_ = 	snop  }
0x162: {  	[tilespmem:s18], [sflag:$0x1] =	stream.indirect_vreg.gather [hbm4b:s2+s3], $0x80, v8, vm0, $0xb8;
	[tilespmem:$0x1A300] =	vst v63  }
0x163: {  	s26 =	simm.s32 $0xD300  }
0x164: {  	[tilespmem:s26], [sflag:$0x1] =	stream.indirect_vreg.gather [hbm4b:s8+s3], $0x80, v8, vm0, $0xb8;
	[tilespmem:$0x1A300] =	vst v63  }
0x165: {  	s28 =	simm.s32 $0xDB00  }
0x166: {  	[tilespmem:s28], [sflag:$0x1] =	stream.indirect_vreg.gather [hbm4b:s9+s3], $0x80, v8, vm0, $0xb8;
	[tilespmem:$0x1A300] =	vst v63  }
0x167: {  	_ =	swait.ge [sflag:s1], $0xC000  }
0x168: {  	[sflag:s1] =	ssyncset.done $0x0  }
0x169: {  	s29 =	rddreg [dreg:$0x9];
	[sflag:s1] =	ssyncadd.s32 $0xFFFF4000  }
0x16a: {  	[hbm4b:s29+s3] =	stream.linear.scatter [tilespmem:s4], [sflag:$0x2], $0xC000, $0x38;
	[tilespmem:$0x1A300] =	vst v63  }
0x16b: {  	_ =	swait.ge [sflag:s14], $0xC000  }
0x16c: {  	[sflag:s14] =	ssyncset.done $0x0  }
0x16d: {  	[sflag:s14] =	ssyncadd.s32 $0xFFFF4000  }
0x16e: {  	_ =	swait.ge [sflag:s1], $0xC000  }
0x16f: {  	[sflag:s1] =	ssyncset.done $0x0  }
0x170: {  	s30 =	rddreg [dreg:$0xa];
	[sflag:s1] =	ssyncadd.s32 $0xFFFF4000  }
0x171: {  	[hbm4b:s30+s3] =	stream.linear.scatter [tilespmem:s12], [sflag:$0x2], $0xC000, $0x38;
	[tilespmem:$0x1A300] =	vst v63  }
0x172: {  	_ =	swait.ge [sflag:s14], $0xC000  }
0x173: {  	s22 =	sadd.s32 $0x1, s22;
	s31 =	rddreg [dreg:$0xb]  }
0x174: {  	p0 =	sne.s32 s22, s31  }
.Ltmp2:
0x175: {  	_ = 	snop;
	(pc) =	sbr.rel @p0 .LBB2_1-.Ltmp2, $3  }
0x176: {  	_ =	sdelay $0x1  }
0x177: {  	[sflag:s14] =	ssyncset.done $0x0  }
0x178: {  	[sflag:s14] =	ssyncadd.s32 $0xFFFF4000  }
0x179: {  	_ =	sfence.sel $0x180000  }
0x17a: {  	[bflag:$0x0] =	sbarrier.arrive $0xFFFF  }
0x17b: {  	_ =	strace $0x90000047  }
0x17c: {  	s0 =	stileid.u32;
	[bflag:$0x2] =	sbarrier.arrive $0xFFFF  }
0x17d: {  	p0 =	sne.s32 s0, $0x0;
	s0 =	rddreg [dreg:$0x3]  }
0x17e: {  	s0 =	sadd.s32 @!p0 $0x100000, s0  }
0x17f: {  	[sflag:s0] =	ssyncadd.tile.s32 @!p0 $0x1;
	_ =	shalt  }
.Lfunc_end2:
_tile_overlayer_lowered:
.L_overlay_start_2:
0x180: {  	(tag) =	ssettag $0x2  }
0x181: {  	s0 =	rddreg [dreg:$0x0];
	s2 =	stileid.u32  }
0x182: {  	s1 =	rddreg [dreg:$0x1];
	p0 =	sne.s32 s2, $0x0  }
0x183: {  	s3 =	rddreg [dreg:$0x2];
	[bflag:$0x3] =	sbarrier.arrive $0xFFFF;
	s2 =	simm.s32 @!p0 $0x1C02  }
0x184: {  	[timem:s3], [sflag:s2] =	dma.local @!p0 [hbm:s0], s1  }
0x185: {  	s0 =	simm.s32 @!p0 $0x2  }
0x186: {  	_ =	swait.ge @!p0 [sflag:s0], s1  }
0x187: {  	s1 =	ssub.s32 @!p0 $0x0, s1;
	[sflag:s0] =	ssyncset.done @!p0 $0x0  }
0x188: {  	[sflag:s0] =	ssyncadd.s32 @!p0 s1  }
0x189: {  	[bflag:$0x3] =	sbarrier.arrive $0xFFFF  }
0x18a: {  	_ =	shalt  }

// kernel: kernel.9.cloned.1.call-start
scs
__scs_entry_jumppad:
0x0: {  	(pc) =	sbr.rel $0x88, $3  }
0x1: {  	(tag) =	ssettag $0x0;
	lr =	simm.s32 $0x1  }
0x2: {  	[smem:$0x3F9B] =	sst lr;
	_ =	strace $0xD0000000  }
0x3: {  	_ = 	snop  }
0x4: {  	_ = 	snop  }
0x5: {  	_ = 	snop  }
0x6: {  	_ = 	snop  }
0x7: {  	_ = 	snop  }
__scs_overlays_trampoline_lowered:
0x8: {  	[smem:$0x3FAA] =	sst s0  }
0x9: {  	[smem:$0x3FAB] =	sst s1  }
0xa: {  	[smem:$0x3FAC] =	sst s2  }
0xb: {  	[smem:$0x3FAD] =	sst s3  }
0xc: {  	[smem:$0x3FAE] =	sst s4  }
0xd: {  	[smem:$0x3FAF] =	sst s5  }
0xe: {  	[smem:$0x3FB0] =	sst s6  }
0xf: {  	[smem:$0x3FB1] =	sst s7  }
0x10: {  	[smem:$0x3FB2] =	sst s8  }
0x11: {  	[smem:$0x3FB3] =	sst s9;
	s0 =	simm.s32 @!p0 $0x0  }
0x12: {  	s1 =	sld [smem:$0x3F99];
	s0 =	simm.s32 @p0 $0x1  }
0x13: {  	[smem:$0x3FB4] =	sst s0;
	s0 =	simm.s32 @!p1 $0x0  }
0x14: {  	s2 =	sld [smem:$0x3F98];
	s0 =	simm.s32 @p1 $0x1  }
0x15: {  	[smem:$0x3FB5] =	sst s0;
	s0 =	simm.s32 @!p2 $0x0  }
0x16: {  	s3 =	sld [smem:$0x3FDB];
	s0 =	simm.s32 @p2 $0x1  }
0x17: {  	s4 =	simm.s32 $0x1BF5;
	[smem:$0x3FB7] =	sst s0  }
0x18: {  	s0 =	sld [smem:$0x3F9A];
	_ =	swait.ge [sflag:s4], $0x0  }
0x19: {  	s7 =	sld [smem:$0x3F9B]  }
0x1a: {  	s8 =	sadd.s32 $0xFFFFE003, lr  }
0x1b: {  	s9 =	sadd.s32 $0xFFFFFEF7, lr;
	s5 =	simm.s32 $0xFFFFFFFF;
	p2 =	slt.u32 s8, $0xFFFFF086  }
0x1c: {  	p1 =	slt.u32 s9, $0xF7A;
	s5 =	simm.s32 @!p2 $0x0  }
0x1d: {  	s5 =	simm.s32 @p1 $0x1;
	p0 =	seq.s32 s7, s2  }
0x1e: {  	s7 =	smul.u32 @!p0 $0xF7A, s2;
	p2 =	seq.s32 @!p0 s5, $0x0  }
0x1f: {  	s9 =	smul.u32 $0xF7A, s1;
	s8 =	simm.s32 @!p0 $0x1BF5;
	p2 =	por !p2, p0  }
0x20: {  	[sflag:s8] =	ssyncset.s32 @!p0 $0xFFFFF086;
	s6 =	sadd.s32 @!p0 s3, s7;
	s7 =	simm.s32 @!p0 $0x108  }
0x21: {  	s3 =	sadd.s32 s3, s9;
	s6 =	sadd.s32 @!p0 $0x88, s6;
	s7 =	simm.s32 @p2 $0x1082  }
0x22: {  	[simem:s7], [sflag:s8] =	dma.local @!p0 [hbm:s6], $0xF7A  }
0x23: {  	s9 =	sor.u32 $0xD0000000, s2;
	s6 =	simm.s32 $0x108;
	_ =	swait.ge @!p0 [sflag:s8], $0x0  }
0x24: {  	s3 =	sadd.s32 $0x88, s3;
	s6 =	simm.s32 @!p1 $0x1082;
	[sflag:s4] =	ssyncset.s32 $0xFFFFF086  }
0x25: {  	[simem:s6], [sflag:s4] =	dma.local [hbm:s3], $0xF7A  }
0x26: {  	[smem:$0x3F9B] =	sst s1;
	(tag) =	ssettag s2;
	_ =	strace s9  }
0x27: {  	s1 =	sld [smem:$0x3FAB]  }
0x28: {  	s2 =	sld [smem:$0x3FAC]  }
0x29: {  	s4 =	sld [smem:$0x3FAE]  }
0x2a: {  	p0 =	seq.s32 s5, $0x0;
	s5 =	sld [smem:$0x3FAF]  }
0x2b: {  	s6 =	sld [smem:$0x3FB0]  }
0x2c: {  	s7 =	sld [smem:$0x3FB1]  }
0x2d: {  	s3 =	simm.s32 $0x108;
	s8 =	sld [smem:$0x3FB2]  }
0x2e: {  	s3 =	simm.s32 @!p0 $0x1082;
	s9 =	sld [smem:$0x3FB3]  }
0x2f: {  	lr =	sadd.s32 s0, s3;
	s0 =	sld [smem:$0x3FAA]  }
0x30: {  	s3 =	sld [smem:$0x3FAD]  }
0x31: {  	[smem:$0x3FB6] =	sst s10  }
0x32: {  	s10 =	sld [smem:$0x3FB4];
	_ =	sdelay $0x3  }
0x33: {  	p0 =	seq.s32 s10, $0x1;
	s10 =	sld [smem:$0x3FB6];
	_ =	sdelay $0x3  }
0x34: {  	[smem:$0x3FB6] =	sst s10  }
0x35: {  	s10 =	sld [smem:$0x3FB5];
	_ =	sdelay $0x3  }
0x36: {  	p1 =	seq.s32 s10, $0x1;
	s10 =	sld [smem:$0x3FB6];
	_ =	sdelay $0x3  }
0x37: {  	[smem:$0x3FB6] =	sst s10  }
0x38: {  	s10 =	sld [smem:$0x3FB7]  }
0x39: {  	_ = 	snop;
	(pc) =	sbr.ind lr, $3  }
0x3a: {  	_ = 	snop  }
0x3b: {  	_ = 	snop  }
0x3c: {  	p2 =	seq.s32 s10, $0x1;
	s10 =	sld [smem:$0x3FB6]  }
0x3d: {  	_ =	shalt  }
0x3e: {  	_ =	shalt  }
0x3f: {  	_ =	shalt  }
0x40: {  	_ =	shalt  }
0x41: {  	_ =	shalt  }
0x42: {  	_ =	shalt  }
0x43: {  	_ =	shalt  }
0x44: {  	_ =	shalt  }
0x45: {  	_ =	shalt  }
0x46: {  	_ =	shalt  }
0x47: {  	_ =	shalt  }
0x48: {  	_ =	shalt  }
0x49: {  	_ =	shalt  }
0x4a: {  	_ =	shalt  }
0x4b: {  	_ =	shalt  }
0x4c: {  	_ =	shalt  }
0x4d: {  	_ =	shalt  }
0x4e: {  	_ =	shalt  }
0x4f: {  	_ =	shalt  }
0x50: {  	_ =	shalt  }
0x51: {  	_ =	shalt  }
0x52: {  	_ =	shalt  }
0x53: {  	_ =	shalt  }
0x54: {  	_ =	shalt  }
0x55: {  	_ =	shalt  }
0x56: {  	_ =	shalt  }
0x57: {  	_ =	shalt  }
0x58: {  	_ =	shalt  }
0x59: {  	_ =	shalt  }
0x5a: {  	_ =	shalt  }
0x5b: {  	_ =	shalt  }
0x5c: {  	_ =	shalt  }
0x5d: {  	_ =	shalt  }
0x5e: {  	_ =	shalt  }
0x5f: {  	_ =	shalt  }
0x60: {  	_ =	shalt  }
0x61: {  	_ =	shalt  }
0x62: {  	_ =	shalt  }
0x63: {  	_ =	shalt  }
0x64: {  	_ =	shalt  }
0x65: {  	_ =	shalt  }
0x66: {  	_ =	shalt  }
0x67: {  	_ =	shalt  }
0x68: {  	_ =	shalt  }
0x69: {  	_ =	shalt  }
0x6a: {  	_ =	shalt  }
0x6b: {  	_ =	shalt  }
0x6c: {  	_ =	shalt  }
0x6d: {  	_ =	shalt  }
0x6e: {  	_ =	shalt  }
0x6f: {  	_ =	shalt  }
0x70: {  	_ =	shalt  }
0x71: {  	_ =	shalt  }
0x72: {  	_ =	shalt  }
0x73: {  	_ =	shalt  }
0x74: {  	_ =	shalt  }
0x75: {  	_ =	shalt  }
0x76: {  	_ =	shalt  }
0x77: {  	_ =	shalt  }
0x78: {  	_ =	shalt  }
0x79: {  	_ =	shalt  }
0x7a: {  	_ =	shalt  }
0x7b: {  	_ =	shalt  }
0x7c: {  	_ =	shalt  }
0x7d: {  	_ =	shalt  }
0x7e: {  	_ =	shalt  }
0x7f: {  	_ =	shalt  }
0x80: {  	_ =	shalt  }
0x81: {  	_ =	shalt  }
0x82: {  	_ =	shalt  }
0x83: {  	_ =	shalt  }
0x84: {  	_ =	shalt  }
0x85: {  	_ =	shalt  }
0x86: {  	_ =	shalt  }
0x87: {  	_ =	shalt  }
.Lfunc_end0:
.L_simem_size_0:
called_computation.1_lowered:
.L_overlay_start_0:
0x88: {  	s2 =	sld [smem:$0x3FD9]  }
0x89: {  	s3 =	sld [smem:$0x3FFE];
	_ =	sdelay $0x1  }
0x8a: {  	s1 =	srdreg.scid  }
0x8b: {  	s0 =	sand.u32 $0x1, s1  }
0x8c: {  	s17 =	sshll.u32 s0, $0xA;
	s2 =	sadd.s32 s3, s2  }
0x8d: {  	s2 =	sadd.s32 s2, s17  }
0x8e: {  	[smem:$0x3FC2] =	sst s2  }
0x8f: {  	_ = 	snop  }
0x90: {  	s2 =	sld [smem:$0x3FD0];
	(tm) =	ssettm $0x1  }
0x91: {  	s18 =	sld [smem:$0x3FFB];
	_ =	sdelay $0x3  }
0x92: {  	_ =	strace s18  }
0x93: {  	s3 =	sld [smem:$0x3FFC];
	_ =	sdelay $0x3  }
0x94: {  	_ =	strace s3  }
0x95: {  	s3 =	sld [smem:$0x3FFD];
	_ =	sdelay $0x3  }
0x96: {  	_ =	strace s3  }
0x97: {  	_ =	strace $0x8FFFFFFF  }
0x98: {  	s19 =	sld [smem:$0x3FDB];
	_ =	sdelay $0x1  }
0x99: {  	s4 =	simm.s32 $_scs_section_size  }
0x9a: {  	s5 =	simm.s32 $_size__tile_overlayer_lowered;
	s6 =	simm.s32 $_tile_overlayer_lowered  }
0x9b: {  	s22 =	simm.s32 $0x1BFF;
	s21 =	sshll.u32 s6, $0x1;
	s3 =	sadd.s32 s4, s19  }
0x9c: {  	s7 =	simm.s32 $0x0;
	s20 =	sshll.u32 s5, $0x1;
	s5 =	sadd.s32 s21, s3  }
0x9d: {  	[timem:s7], [sflag:s22] =	dma.local [hbm:s5], s20  }
0x9e: {  	_ =	swait.ge [sflag:s22], s20  }
0x9f: {  	s4 =	ssub.s32 $0x0, s20;
	[sflag:s22] =	ssyncset.done $0x0  }
0xa0: {  	[sflag:s22] =	ssyncadd.s32 s4;
	_ =	sdelay $0x1  }
0xa1: {  	s23 =	simm.s32 $0x1B8B  }
0xa2: {  	_ =	swait.ge [sflag:s23], $0x1  }
0xa3: {  	[sflag:s23] =	ssyncset.done $0x0  }
0xa4: {  	s25 =	simm.s32 $0x1B8E;
	s24 =	sld [smem:$0x3FFE];
	[sflag:s23] =	ssyncadd.s32 $0xFFFFFFFF  }
0xa5: {  	s26 =	simm.s32 $execute0_lowered;
	[smem:$0x3FD2] =	sst s25  }
0xa6: {  	s5 =	sshll.u32 s26, $0x1;
	_ =	strace $0x80000049;
	[dreg:$0x1] =	wrdreg $0xFFFFFFFF  }
0xa7: {  	s28 =	simm.s32 $_size_execute0_lowered;
	s3 =	sadd.s32 s3, s5;
	[dreg:$0x0] =	wrdreg $0x0  }
0xa8: {  	s5 =	sshll.u32 s28, $0x1;
	[dreg:$0x2] =	wrdreg s3  }
0xa9: {  	[dreg:$0x3] =	wrdreg s5  }
0xaa: {  	[dreg:$0x4] =	wrdreg $0xC0  }
0xab: {  	_ =	task [dreg:s7], $0x5FFFF  }
0xac: {  	[dreg:$0x1] =	wrdreg $0xFFFFFFFF  }
0xad: {  	[dreg:$0x0] =	wrdreg $0x60  }
0xae: {  	[dreg:$0x2] =	wrdreg s24  }
0xaf: {  	[dreg:$0x3] =	wrdreg s2  }
0xb0: {  	[dreg:$0x4] =	wrdreg $0x9  }
0xb1: {  	_ =	task.clear_ibuf [dreg:s7], $0x5FFFF;
	_ =	strace $0x90000049  }
0xb2: {  	s29 =	simm.s32 $0x9;
	_ =	strace $0x8000004B  }
0xb3: {  	_ =	swait.ge [sflag:s29], $0x1  }
0xb4: {  	[sflag:s29] =	ssyncadd.s32 $0xFFFFFFFF  }
0xb5: {  	_ =	strace $0x9000004B  }
0xb6: {  	_ =	sfence  }
0xb7: {  	s30 =	sld [smem:$0x0];
	_ =	sdelay $0x2  }
0xb8: {  	s31 =	sshll.u32 s1, $0xD;
	s1 =	sshrl.u32 s1, $0x2  }
0xb9: {  	s3 =	sand.u32 $0x4000, s31;
	s1 =	sadd.s32 s1, s30  }
0xba: {  	s0 =	sor.u32 s3, s0;
	s1 =	sshll.u32 s1, $0x11  }
0xbb: {  	s0 =	sor.u32 s1, s0  }
0xbc: {  	s0 =	sadd.s32 $0x8F2B, s0  }
0xbd: {  	[sflag:s0] =	ssyncadd.remote.s32 $0x1  }
0xbe: {  	_ =	sfence.sel $0xFFFF  }
0xbf: {  	[dreg:$0x0] =	wrdreg $0xFFFFFFFF;
	(pc) =	sbr.abs _section_cstart, $3  }
0xc0: {  	[dreg:$0x1] =	wrdreg $0xFFFFFFFF  }
0xc1: {  	_ =	task.clear_ibuf [dreg:s7], $0x2FFFF;
	_ =	strace $0x9FFFFFFF  }
0xc2: {  	(tm) =	ssettm $0x7FFFFFFF  }
0xc3: {  	_ =	shalt  }
tec
execute0_lowered:
.L_overlay_start_1:
0x0: {  	(tag) =	ssettag $0x1  }
0x1: {  	s0 =	rddreg [dreg:$0x0]  }
0x2: {  	s1 =	rddreg [dreg:$0x1];
	s2 =	simm.s32 $0x0;
	s3 =	srdreg.scid  }
0x3: {  	s6 =	stileid.u32;
	s10 =	simm.s32 $0x3;
	s12 =	simm.s32 $0x100  }
0x4: {  	s11 =	simm.s32 $0x15100;
	s13 =	simm.s32 $0x15900;
	s14 =	simm.s32 $0x16100  }
0x5: {  	s15 =	simm.s32 $0x16900;
	s16 =	simm.s32 $0x17100;
	s17 =	simm.s32 $0x17900  }
0x6: {  	s18 =	simm.s32 $0x1;
	s19 =	simm.s32 $0x2;
	s20 =	simm.s32 $0x0  }
0x7: {  	[smem:$0x7FF] =	sst s2;
	s4 =	sand.u32 $0x1, s3;
	s6 =	sshll.u32 s6, $0x3  }
0x8: {  	s3 =	sadd.s32 $0x1000, s0;
	s5 =	sshll.u32 s4, $0x7;
	s4 =	ssub.s32 $0x2, s4  }
0x9: {  	_ =	strace $0x8000004A;
	s5 =	sor.u32 s6, s5;
	s7 =	sshrl.u32 s4, $0x1  }
0xa: {  	v2 =	vlaneseq.u32;
	s6 =	sadd.s32 s5, s0;
	s8 =	smul.u32 $0x300, s5;
	s9 =	ssub.s32 s4, s7  }
0xb: {  	vm0 =	vmmov $0xffff;
	v1 =	vshrl.u32 v2, $0x3;
	s7 =	sadd.s32 $0x1200, s0;
	s4 =	sadd.s32 $0xE00, s6;
	s5 =	sadd.s32 $0xF00, s6  }
0xc: {  	v0 =	vand.u32 $0x7, v2;
	v2 =	vor.u32 $0x8, v2;
	v1 =	vmul.u32 $0x8, v1;
	s6 =	sadd.s32 $0x1100, s0;
	s9 =	smax.u32 s9, $0x1;
	s8 =	sadd.s32 s1, s8  }
.LBB2_1:
0xd: {  	[tilespmem:s2], [sflag:$0x3] =	stream.linear.gather [hbm4b:s4+s2], $0x40, $0x38;
	[tilespmem:$0x18100] =	vst v63  }
0xe: {  	_ =	swait.ge [sflag:s10], $0x40  }
0xf: {  	[sflag:s10] =	ssyncset.done $0x0  }
0x10: {  	s0 =	simm.s32 $0x80;
	[sflag:s10] =	ssyncadd.s32 $0xFFFFFFC0  }
0x11: {  	[tilespmem:s0], [sflag:$0x3] =	stream.linear.gather [hbm4b:s5+s2], $0x40, $0x38;
	[tilespmem:$0x18100] =	vst v63  }
0x12: {  	_ =	swait.ge [sflag:s10], $0x40  }
0x13: {  	[sflag:s10] =	ssyncset.done $0x0  }
0x14: {  	[sflag:s10] =	ssyncadd.s32 $0xFFFFFFC0  }
0x15: {  	v3 =	vld [tilespmem:$0x0];
	_ =	sdelay $0x4  }
0x16: {  	v4 =	vshrl.u32 v3, $0x3  }
0x17: {  	v4 =	vmul.u32 $0x30, v4  }
0x18: {  	v3 =	vand.u32 $0x7, v3  }
0x19: {  	v3 =	vor.u32 v3, v4  }
0x1a: {  	v4 =	vperm.xlane v3, v0;
	_ =	sdelay $0x1  }
0x1b: {  	v4 =	vadd.s32 v1, v4;
	_ =	sdelay $0x3  }
0x1c: {  	v3 =	vperm.xlane v3, v2  }
0x1d: {  	[tilespmem:s12], [sflag:$0x1] =	stream.indirect_vreg.gather [hbm4b:s3+s2], $0x80, v4, vm0, $0xb8;
	[tilespmem:$0x18100] =	vst v63  }
0x1e: {  	s22 =	simm.s32 $0x900;
	v3 =	vadd.s32 v1, v3  }
0x1f: {  	[tilespmem:s22], [sflag:$0x1] =	stream.indirect_vreg.gather [hbm4b:s6+s2], $0x80, v4, vm0, $0xb8;
	[tilespmem:$0x18100] =	vst v63  }
0x20: {  	s23 =	simm.s32 $0x1100  }
0x21: {  	[tilespmem:s23], [sflag:$0x1] =	stream.indirect_vreg.gather [hbm4b:s7+s2], $0x80, v4, vm0, $0xb8;
	[tilespmem:$0x18100] =	vst v63  }
0x22: {  	s24 =	simm.s32 $0x1900  }
0x23: {  	[tilespmem:s24], [sflag:$0x1] =	stream.indirect_vreg.gather [hbm4b:s3+s2], $0x80, v3, vm0, $0xb8;
	[tilespmem:$0x18100] =	vst v63  }
0x24: {  	s25 =	simm.s32 $0x2100  }
0x25: {  	[tilespmem:s25], [sflag:$0x1] =	stream.indirect_vreg.gather [hbm4b:s6+s2], $0x80, v3, vm0, $0xb8;
	[tilespmem:$0x18100] =	vst v63  }
0x26: {  	s26 =	simm.s32 $0x2900  }
0x27: {  	[tilespmem:s26], [sflag:$0x1] =	stream.indirect_vreg.gather [hbm4b:s7+s2], $0x80, v3, vm0, $0xb8;
	[tilespmem:$0x18100] =	vst v63  }
0x28: {  	v3 =	vld [tilespmem:$0x10];
	_ =	sdelay $0x4  }
0x29: {  	v4 =	vshrl.u32 v3, $0x3  }
0x2a: {  	v4 =	vmul.u32 $0x30, v4  }
0x2b: {  	v3 =	vand.u32 $0x7, v3  }
0x2c: {  	v3 =	vor.u32 v3, v4  }
0x2d: {  	v4 =	vperm.xlane v3, v0;
	_ =	sdelay $0x1  }
0x2e: {  	v4 =	vadd.s32 v1, v4;
	_ =	sdelay $0x3  }
0x2f: {  	s28 =	simm.s32 $0x3100;
	v3 =	vperm.xlane v3, v2  }
0x30: {  	[tilespmem:s28], [sflag:$0x1] =	stream.indirect_vreg.gather [hbm4b:s3+s2], $0x80, v4, vm0, $0xb8;
	[tilespmem:$0x18100] =	vst v63  }
0x31: {  	s29 =	simm.s32 $0x3900;
	v3 =	vadd.s32 v1, v3  }
0x32: {  	[tilespmem:s29], [sflag:$0x1] =	stream.indirect_vreg.gather [hbm4b:s6+s2], $0x80, v4, vm0, $0xb8;
	[tilespmem:$0x18100] =	vst v63  }
0x33: {  	s30 =	simm.s32 $0x4100  }
0x34: {  	[tilespmem:s30], [sflag:$0x1] =	stream.indirect_vreg.gather [hbm4b:s7+s2], $0x80, v4, vm0, $0xb8;
	[tilespmem:$0x18100] =	vst v63  }
0x35: {  	s31 =	simm.s32 $0x4900  }
0x36: {  	[tilespmem:s31], [sflag:$0x1] =	stream.indirect_vreg.gather [hbm4b:s3+s2], $0x80, v3, vm0, $0xb8;
	[tilespmem:$0x18100] =	vst v63  }
0x37: {  	s1 =	simm.s32 $0x5100  }
0x38: {  	[tilespmem:s1], [sflag:$0x1] =	stream.indirect_vreg.gather [hbm4b:s6+s2], $0x80, v3, vm0, $0xb8;
	[tilespmem:$0x18100] =	vst v63  }
0x39: {  	s21 =	simm.s32 $0x5900  }
0x3a: {  	[tilespmem:s21], [sflag:$0x1] =	stream.indirect_vreg.gather [hbm4b:s7+s2], $0x80, v3, vm0, $0xb8;
	[tilespmem:$0x18100] =	vst v63  }
0x3b: {  	v3 =	vld [tilespmem:$0x20];
	_ =	sdelay $0x4  }
0x3c: {  	v4 =	vshrl.u32 v3, $0x3  }
0x3d: {  	v4 =	vmul.u32 $0x30, v4  }
0x3e: {  	v3 =	vand.u32 $0x7, v3  }
0x3f: {  	v3 =	vor.u32 v3, v4  }
0x40: {  	v4 =	vperm.xlane v3, v0;
	_ =	sdelay $0x1  }
0x41: {  	v4 =	vadd.s32 v1, v4;
	_ =	sdelay $0x3  }
0x42: {  	s22 =	simm.s32 $0x6100;
	v3 =	vperm.xlane v3, v2  }
0x43: {  	[tilespmem:s22], [sflag:$0x1] =	stream.indirect_vreg.gather [hbm4b:s3+s2], $0x80, v4, vm0, $0xb8;
	[tilespmem:$0x18100] =	vst v63  }
0x44: {  	s23 =	simm.s32 $0x6900;
	v3 =	vadd.s32 v1, v3  }
0x45: {  	[tilespmem:s23], [sflag:$0x1] =	stream.indirect_vreg.gather [hbm4b:s6+s2], $0x80, v4, vm0, $0xb8;
	[tilespmem:$0x18100] =	vst v63  }
0x46: {  	s24 =	simm.s32 $0x7100  }
0x47: {  	[tilespmem:s24], [sflag:$0x1] =	stream.indirect_vreg.gather [hbm4b:s7+s2], $0x80, v4, vm0, $0xb8;
	[tilespmem:$0x18100] =	vst v63  }
0x48: {  	s25 =	simm.s32 $0x7900  }
0x49: {  	[tilespmem:s25], [sflag:$0x1] =	stream.indirect_vreg.gather [hbm4b:s3+s2], $0x80, v3, vm0, $0xb8;
	[tilespmem:$0x18100] =	vst v63  }
0x4a: {  	s26 =	simm.s32 $0x8100  }
0x4b: {  	[tilespmem:s26], [sflag:$0x1] =	stream.indirect_vreg.gather [hbm4b:s6+s2], $0x80, v3, vm0, $0xb8;
	[tilespmem:$0x18100] =	vst v63  }
0x4c: {  	s28 =	simm.s32 $0x8900  }
0x4d: {  	[tilespmem:s28], [sflag:$0x1] =	stream.indirect_vreg.gather [hbm4b:s7+s2], $0x80, v3, vm0, $0xb8;
	[tilespmem:$0x18100] =	vst v63  }
0x4e: {  	v3 =	vld [tilespmem:$0x30];
	_ =	sdelay $0x4  }
0x4f: {  	v4 =	vshrl.u32 v3, $0x3  }
0x50: {  	v4 =	vmul.u32 $0x30, v4  }
0x51: {  	v3 =	vand.u32 $0x7, v3  }
0x52: {  	v3 =	vor.u32 v3, v4  }
0x53: {  	v4 =	vperm.xlane v3, v0;
	_ =	sdelay $0x1  }
0x54: {  	v4 =	vadd.s32 v1, v4;
	_ =	sdelay $0x3  }
0x55: {  	s29 =	simm.s32 $0x9100;
	v3 =	vperm.xlane v3, v2  }
0x56: {  	[tilespmem:s29], [sflag:$0x1] =	stream.indirect_vreg.gather [hbm4b:s3+s2], $0x80, v4, vm0, $0xb8;
	[tilespmem:$0x18100] =	vst v63  }
0x57: {  	s30 =	simm.s32 $0x9900;
	v3 =	vadd.s32 v1, v3  }
0x58: {  	[tilespmem:s30], [sflag:$0x1] =	stream.indirect_vreg.gather [hbm4b:s6+s2], $0x80, v4, vm0, $0xb8;
	[tilespmem:$0x18100] =	vst v63  }
0x59: {  	s31 =	simm.s32 $0xA100  }
0x5a: {  	[tilespmem:s31], [sflag:$0x1] =	stream.indirect_vreg.gather [hbm4b:s7+s2], $0x80, v4, vm0, $0xb8;
	[tilespmem:$0x18100] =	vst v63  }
0x5b: {  	s1 =	simm.s32 $0xA900  }
0x5c: {  	[tilespmem:s1], [sflag:$0x1] =	stream.indirect_vreg.gather [hbm4b:s3+s2], $0x80, v3, vm0, $0xb8;
	[tilespmem:$0x18100] =	vst v63  }
0x5d: {  	s21 =	simm.s32 $0xB100  }
0x5e: {  	[tilespmem:s21], [sflag:$0x1] =	stream.indirect_vreg.gather [hbm4b:s6+s2], $0x80, v3, vm0, $0xb8;
	[tilespmem:$0x18100] =	vst v63  }
0x5f: {  	s22 =	simm.s32 $0xB900  }
0x60: {  	[tilespmem:s22], [sflag:$0x1] =	stream.indirect_vreg.gather [hbm4b:s7+s2], $0x80, v3, vm0, $0xb8;
	[tilespmem:$0x18100] =	vst v63  }
0x61: {  	v3 =	vld [tilespmem:$0x80];
	_ =	sdelay $0x4  }
0x62: {  	v4 =	vshrl.u32 v3, $0x3  }
0x63: {  	v4 =	vmul.u32 $0x30, v4  }
0x64: {  	v3 =	vand.u32 $0x7, v3  }
0x65: {  	v3 =	vor.u32 v3, v4  }
0x66: {  	v4 =	vperm.xlane v3, v0;
	_ =	sdelay $0x1  }
0x67: {  	v4 =	vadd.s32 v1, v4;
	_ =	sdelay $0x3  }
0x68: {  	s23 =	simm.s32 $0xC100;
	v3 =	vperm.xlane v3, v2  }
0x69: {  	[tilespmem:s23], [sflag:$0x2] =	stream.indirect_vreg.gather [hbm4b:s3+s2], $0x80, v4, vm0, $0xb8;
	[tilespmem:$0x18100] =	vst v63  }
0x6a: {  	s24 =	simm.s32 $0xC900;
	v3 =	vadd.s32 v1, v3  }
0x6b: {  	[tilespmem:s24], [sflag:$0x2] =	stream.indirect_vreg.gather [hbm4b:s6+s2], $0x80, v4, vm0, $0xb8;
	[tilespmem:$0x18100] =	vst v63  }
0x6c: {  	s25 =	simm.s32 $0xD100  }
0x6d: {  	[tilespmem:s25], [sflag:$0x2] =	stream.indirect_vreg.gather [hbm4b:s7+s2], $0x80, v4, vm0, $0xb8;
	[tilespmem:$0x18100] =	vst v63  }
0x6e: {  	s26 =	simm.s32 $0xD900  }
0x6f: {  	[tilespmem:s26], [sflag:$0x2] =	stream.indirect_vreg.gather [hbm4b:s3+s2], $0x80, v3, vm0, $0xb8;
	[tilespmem:$0x18100] =	vst v63  }
0x70: {  	s28 =	simm.s32 $0xE100  }
0x71: {  	[tilespmem:s28], [sflag:$0x2] =	stream.indirect_vreg.gather [hbm4b:s6+s2], $0x80, v3, vm0, $0xb8;
	[tilespmem:$0x18100] =	vst v63  }
0x72: {  	s29 =	simm.s32 $0xE900  }
0x73: {  	[tilespmem:s29], [sflag:$0x2] =	stream.indirect_vreg.gather [hbm4b:s7+s2], $0x80, v3, vm0, $0xb8;
	[tilespmem:$0x18100] =	vst v63  }
0x74: {  	v3 =	vld [tilespmem:$0x90];
	_ =	sdelay $0x4  }
0x75: {  	v4 =	vshrl.u32 v3, $0x3  }
0x76: {  	v4 =	vmul.u32 $0x30, v4  }
0x77: {  	v3 =	vand.u32 $0x7, v3  }
0x78: {  	v3 =	vor.u32 v3, v4  }
0x79: {  	v4 =	vperm.xlane v3, v0;
	_ =	sdelay $0x1  }
0x7a: {  	v4 =	vadd.s32 v1, v4;
	_ =	sdelay $0x3  }
0x7b: {  	s30 =	simm.s32 $0xF100;
	v3 =	vperm.xlane v3, v2  }
0x7c: {  	[tilespmem:s30], [sflag:$0x2] =	stream.indirect_vreg.gather [hbm4b:s3+s2], $0x80, v4, vm0, $0xb8;
	[tilespmem:$0x18100] =	vst v63  }
0x7d: {  	s31 =	simm.s32 $0xF900;
	v3 =	vadd.s32 v1, v3  }
0x7e: {  	[tilespmem:s31], [sflag:$0x2] =	stream.indirect_vreg.gather [hbm4b:s6+s2], $0x80, v4, vm0, $0xb8;
	[tilespmem:$0x18100] =	vst v63  }
0x7f: {  	s1 =	simm.s32 $0x10100  }
0x80: {  	[tilespmem:s1], [sflag:$0x2] =	stream.indirect_vreg.gather [hbm4b:s7+s2], $0x80, v4, vm0, $0xb8;
	[tilespmem:$0x18100] =	vst v63  }
0x81: {  	s21 =	simm.s32 $0x10900  }
0x82: {  	[tilespmem:s21], [sflag:$0x2] =	stream.indirect_vreg.gather [hbm4b:s3+s2], $0x80, v3, vm0, $0xb8;
	[tilespmem:$0x18100] =	vst v63  }
0x83: {  	s22 =	simm.s32 $0x11100  }
0x84: {  	[tilespmem:s22], [sflag:$0x2] =	stream.indirect_vreg.gather [hbm4b:s6+s2], $0x80, v3, vm0, $0xb8;
	[tilespmem:$0x18100] =	vst v63  }
0x85: {  	s23 =	simm.s32 $0x11900  }
0x86: {  	[tilespmem:s23], [sflag:$0x2] =	stream.indirect_vreg.gather [hbm4b:s7+s2], $0x80, v3, vm0, $0xb8;
	[tilespmem:$0x18100] =	vst v63  }
0x87: {  	v3 =	vld [tilespmem:$0xA0];
	_ =	sdelay $0x4  }
0x88: {  	v4 =	vshrl.u32 v3, $0x3  }
0x89: {  	v4 =	vmul.u32 $0x30, v4  }
0x8a: {  	v3 =	vand.u32 $0x7, v3  }
0x8b: {  	v3 =	vor.u32 v3, v4  }
0x8c: {  	v4 =	vperm.xlane v3, v0;
	_ =	sdelay $0x1  }
0x8d: {  	v4 =	vadd.s32 v1, v4;
	_ =	sdelay $0x3  }
0x8e: {  	s24 =	simm.s32 $0x12100;
	v3 =	vperm.xlane v3, v2  }
0x8f: {  	[tilespmem:s24], [sflag:$0x2] =	stream.indirect_vreg.gather [hbm4b:s3+s2], $0x80, v4, vm0, $0xb8;
	[tilespmem:$0x18100] =	vst v63  }
0x90: {  	s25 =	simm.s32 $0x12900;
	v3 =	vadd.s32 v1, v3  }
0x91: {  	[tilespmem:s25], [sflag:$0x2] =	stream.indirect_vreg.gather [hbm4b:s6+s2], $0x80, v4, vm0, $0xb8;
	[tilespmem:$0x18100] =	vst v63  }
0x92: {  	s26 =	simm.s32 $0x13100  }
0x93: {  	[tilespmem:s26], [sflag:$0x2] =	stream.indirect_vreg.gather [hbm4b:s7+s2], $0x80, v4, vm0, $0xb8;
	[tilespmem:$0x18100] =	vst v63  }
0x94: {  	s28 =	simm.s32 $0x13900  }
0x95: {  	[tilespmem:s28], [sflag:$0x2] =	stream.indirect_vreg.gather [hbm4b:s3+s2], $0x80, v3, vm0, $0xb8;
	[tilespmem:$0x18100] =	vst v63  }
0x96: {  	s29 =	simm.s32 $0x14100  }
0x97: {  	[tilespmem:s29], [sflag:$0x2] =	stream.indirect_vreg.gather [hbm4b:s6+s2], $0x80, v3, vm0, $0xb8;
	[tilespmem:$0x18100] =	vst v63  }
0x98: {  	s30 =	simm.s32 $0x14900  }
0x99: {  	[tilespmem:s30], [sflag:$0x2] =	stream.indirect_vreg.gather [hbm4b:s7+s2], $0x80, v3, vm0, $0xb8;
	[tilespmem:$0x18100] =	vst v63  }
0x9a: {  	v3 =	vld [tilespmem:$0xB0];
	_ =	sdelay $0x4  }
0x9b: {  	v4 =	vshrl.u32 v3, $0x3  }
0x9c: {  	v4 =	vmul.u32 $0x30, v4  }
0x9d: {  	v3 =	vand.u32 $0x7, v3  }
0x9e: {  	v3 =	vor.u32 v3, v4  }
0x9f: {  	v4 =	vperm.xlane v3, v0;
	_ =	sdelay $0x1  }
0xa0: {  	v4 =	vadd.s32 v1, v4  }
0xa1: {  	s21 =	simm.s32 $0x0  }
0xa2: {  	s22 =	sor.u32 $0x2, s21  }
0xa3: {  	s23 =	sand.u32 $0xFFFF, s22  }
0xa4: {  	s23 =	smul.u32 $0xAAAB, s23;
	v3 =	vperm.xlane v3, v2  }
0xa5: {  	[tilespmem:s11], [sflag:$0x2] =	stream.indirect_vreg.gather [hbm4b:s3+s2], $0x80, v4, vm0, $0xb8;
	[tilespmem:$0x18100] =	vst v63  }
0xa6: {  	s23 =	sshrl.u32 s23, $0x13;
	v3 =	vadd.s32 v1, v3  }
0xa7: {  	[tilespmem:s13], [sflag:$0x2] =	stream.indirect_vreg.gather [hbm4b:s6+s2], $0x80, v4, vm0, $0xb8;
	[tilespmem:$0x18100] =	vst v63  }
0xa8: {  	s23 =	smul.u32 $0xC, s23  }
0xa9: {  	[tilespmem:s14], [sflag:$0x2] =	stream.indirect_vreg.gather [hbm4b:s7+s2], $0x80, v4, vm0, $0xb8;
	[tilespmem:$0x18100] =	vst v63  }
0xaa: {  	s22 =	ssub.s32 s22, s23;
	s25 =	sor.u32 $0x1, s21  }
0xab: {  	[tilespmem:s15], [sflag:$0x2] =	stream.indirect_vreg.gather [hbm4b:s3+s2], $0x80, v3, vm0, $0xb8;
	[tilespmem:$0x18100] =	vst v63  }
0xac: {  	s22 =	sshll.u32 s22, $0x9;
	s24 =	smul.u32 $0xAAAB, s21;
	s26 =	sand.u32 $0xFFFF, s25  }
0xad: {  	[tilespmem:s16], [sflag:$0x2] =	stream.indirect_vreg.gather [hbm4b:s6+s2], $0x80, v3, vm0, $0xb8;
	[tilespmem:$0x18100] =	vst v63  }
0xae: {  	s22 =	sand.u32 $0xFE00, s22;
	s26 =	smul.u32 $0xAAAB, s26  }
0xaf: {  	[tilespmem:s17], [sflag:$0x2] =	stream.indirect_vreg.gather [hbm4b:s7+s2], $0x80, v3, vm0, $0xb8;
	[tilespmem:$0x18100] =	vst v63  }
0xb0: {  	s0 =	sshrl.u32 s24, $0xC;
	s28 =	sshrl.u32 s24, $0x16;
	_ =	swait.ge [sflag:s18], $0xC000  }
0xb1: {  	s28 =	smul.u32 $0x1800, s28;
	s31 =	sshrl.u32 s26, $0x11;
	[sflag:s18] =	ssyncset.done $0x0  }
0xb2: {  	s26 =	sand.u32 $0x380, s0;
	s29 =	sor.u32 $0x3, s21;
	[sflag:s18] =	ssyncadd.s32 $0xFFFF4000  }
0xb3: {  	s23 =	sand.u32 $0xC, s31;
	s22 =	sadd.s32 s22, s28;
	_ =	swait.ge [sflag:s19], $0xC000  }
0xb4: {  	s25 =	sadd.s32 s23, s25;
	s30 =	sand.u32 $0xFFFF, s29;
	[sflag:s19] =	ssyncset.done $0x0  }
0xb5: {  	s23 =	sadd.s32 s26, s22;
	s1 =	smul.u32 $0xAAAB, s30;
	[sflag:s19] =	ssyncadd.s32 $0xFFFF4000  }
0xb6: {  	s25 =	sshll.u32 s25, $0x9;
	v3 =	vld [tilespmem:s23+$0xC130]  }
0xb7: {  	s25 =	sand.u32 $0x1800, s25;
	s22 =	sshrl.u32 s1, $0x11;
	v16 =	vld [tilespmem:s23+$0xC100]  }
0xb8: {  	s25 =	sadd.s32 s25, s28;
	s22 =	sand.u32 $0xC, s22;
	v17 =	vld [tilespmem:s23+$0xC110]  }
0xb9: {  	s25 =	sor.u32 s26, s25;
	s22 =	sadd.s32 s22, s29;
	v10 =	vld [tilespmem:s23+$0xC120]  }
0xba: {  	s24 =	sshrl.u32 s24, $0x13;
	s22 =	sshll.u32 s22, $0x9;
	v8 =	vld [tilespmem:s25+$0xC140]  }
0xbb: {  	s24 =	smul.u32 $0xC, s24;
	s22 =	sand.u32 $0x1C00, s22;
	v14 =	vld [tilespmem:s25+$0xC150]  }
0xbc: {  	s22 =	sadd.s32 s22, s28;
	v12 =	vld [tilespmem:s25+$0xC160]  }
0xbd: {  	s30 =	ssub.s32 $0x0, s24;
	s24 =	sor.u32 s26, s22;
	v15 =	vld [tilespmem:s25+$0xC170]  }
0xbe: {  	s31 =	sshll.u32 s30, $0x9;
	v13 =	vld [tilespmem:s24+$0xC140]  }
0xbf: {  	s22 =	sand.u32 $0xFE00, s31;
	v11 =	vld [tilespmem:s24+$0xC150]  }
0xc0: {  	s22 =	sadd.s32 s22, s28;
	v9 =	vld [tilespmem:s24+$0xC160]  }
0xc1: {  	s22 =	sor.u32 s26, s22;
	v7 =	vld [tilespmem:s24+$0xC170]  }
0xc2: {  	v6 =	vld [tilespmem:s22+$0xC100]  }
0xc3: {  	v5 =	vld [tilespmem:s22+$0xC110]  }
0xc4: {  	v4 =	vld [tilespmem:s22+$0xC120]  }
0xc5: {  	[tilespmem:s23+$0x130] =	vst.add.f32.msk $0xffff, v3  }
0xc6: {  	v3 =	vld [tilespmem:s22+$0xC130]  }
0xc7: {  	[tilespmem:s23+$0x100] =	vst.add.f32.msk $0xffff, v16  }
0xc8: {  	[tilespmem:s23+$0x110] =	vst.add.f32.msk $0xffff, v17  }
.LBB2_2:
0xc9: {  	s21 =	sadd.s32 $0x4, s21;
	[tilespmem:s23+$0x120] =	vst.add.f32.msk $0xffff, v10  }
0xca: {  	s23 =	sor.u32 $0x1, s21;
	s26 =	sor.u32 $0x2, s21;
	s28 =	sor.u32 $0x3, s21;
	[tilespmem:s25+$0x140] =	vst.add.f32.msk $0xffff, v8  }
0xcb: {  	s29 =	sand.u32 $0xFFFF, s23;
	s30 =	sand.u32 $0xFFFF, s26;
	s31 =	sand.u32 $0xFFFF, s28;
	[tilespmem:s25+$0x150] =	vst.add.f32.msk $0xffff, v14  }
0xcc: {  	p0 =	slt.u32 s21, $0x2FC;
	s30 =	smul.u32 $0xAAAB, s30;
	[tilespmem:s25+$0x160] =	vst.add.f32.msk $0xffff, v12  }
0xcd: {  	s29 =	smul.u32 $0xAAAB, s29;
	[tilespmem:s25+$0x170] =	vst.add.f32.msk $0xffff, v15  }
0xce: {  	s25 =	smul.u32 $0xAAAB, s21;
	s30 =	sshrl.u32 s30, $0x13;
	[tilespmem:s24+$0x140] =	vst.add.f32.msk $0xffff, v13  }
0xcf: {  	s29 =	sshrl.u32 s29, $0x11;
	s30 =	smul.u32 $0xC, s30;
	[tilespmem:s24+$0x150] =	vst.add.f32.msk $0xffff, v11  }
0xd0: {  	s31 =	smul.u32 $0xAAAB, s31;
	s0 =	sshrl.u32 s25, $0x13;
	s29 =	sand.u32 $0xC, s29;
	[tilespmem:s24+$0x160] =	vst.add.f32.msk $0xffff, v9  }
0xd1: {  	s1 =	sshrl.u32 s25, $0x16;
	s0 =	smul.u32 $0xC, s0;
	s26 =	ssub.s32 s26, s30;
	[tilespmem:s24+$0x170] =	vst.add.f32.msk $0xffff, v7  }
0xd2: {  	s1 =	smul.u32 $0x1800, s1;
	s24 =	sshll.u32 s26, $0x9;
	s26 =	sshrl.u32 s31, $0x11;
	[tilespmem:s22+$0x100] =	vst.add.f32.msk $0xffff, v6  }
0xd3: {  	s25 =	sshrl.u32 s25, $0xC;
	s24 =	sand.u32 $0xFE00, s24;
	s26 =	sand.u32 $0xC, s26;
	[tilespmem:s22+$0x110] =	vst.add.f32.msk $0xffff, v5  }
0xd4: {  	s30 =	sand.u32 $0x380, s25;
	s25 =	sadd.s32 s29, s23;
	s23 =	sadd.s32 s24, s1;
	[tilespmem:s22+$0x120] =	vst.add.f32.msk $0xffff, v4  }
0xd5: {  	s0 =	ssub.s32 s21, s0;
	s24 =	sadd.s32 s26, s28;
	s23 =	sadd.s32 s30, s23;
	[tilespmem:s22+$0x130] =	vst.add.f32.msk $0xffff, v3  }
0xd6: {  	s0 =	sshll.u32 s0, $0x9;
	s22 =	sshll.u32 s25, $0x9;
	s24 =	sshll.u32 s24, $0x9;
	v3 =	vld [tilespmem:s23+$0xC130]  }
0xd7: {  	s0 =	sand.u32 $0xFE00, s0;
	s22 =	sand.u32 $0x1800, s22;
	s24 =	sand.u32 $0x1C00, s24;
	v16 =	vld [tilespmem:s23+$0xC100]  }
0xd8: {  	s0 =	sadd.s32 s0, s1;
	s25 =	sadd.s32 s22, s1;
	s1 =	sadd.s32 s24, s1;
	v17 =	vld [tilespmem:s23+$0xC110]  }
0xd9: {  	s22 =	sor.u32 s30, s0;
	s25 =	sor.u32 s30, s25;
	s24 =	sor.u32 s30, s1;
	v10 =	vld [tilespmem:s23+$0xC120]  }
0xda: {  	v8 =	vld [tilespmem:s25+$0xC140]  }
0xdb: {  	[tilespmem:s23+$0x130] =	vst.add.f32.msk $0xffff, v3  }
0xdc: {  	v14 =	vld [tilespmem:s25+$0xC150]  }
0xdd: {  	v12 =	vld [tilespmem:s25+$0xC160]  }
0xde: {  	v15 =	vld [tilespmem:s25+$0xC170]  }
0xdf: {  	v13 =	vld [tilespmem:s24+$0xC140]  }
0xe0: {  	v11 =	vld [tilespmem:s24+$0xC150]  }
0xe1: {  	v9 =	vld [tilespmem:s24+$0xC160]  }
0xe2: {  	v7 =	vld [tilespmem:s24+$0xC170]  }
0xe3: {  	v6 =	vld [tilespmem:s22+$0xC100]  }
.Ltmp0:
0xe4: {  	v5 =	vld [tilespmem:s22+$0xC110];
	(pc) =	sbr.rel @p0 .LBB2_2-.Ltmp0, $4  }
0xe5: {  	v4 =	vld [tilespmem:s22+$0xC120]  }
0xe6: {  	v3 =	vld [tilespmem:s22+$0xC130]  }
0xe7: {  	[tilespmem:s23+$0x100] =	vst.add.f32.msk $0xffff, v16  }
0xe8: {  	[tilespmem:s23+$0x110] =	vst.add.f32.msk $0xffff, v17  }
0xe9: {  	[tilespmem:s23+$0x120] =	vst.add.f32.msk $0xffff, v10  }
0xea: {  	[tilespmem:s25+$0x140] =	vst.add.f32.msk $0xffff, v8  }
0xeb: {  	[tilespmem:s25+$0x150] =	vst.add.f32.msk $0xffff, v14  }
0xec: {  	[tilespmem:s25+$0x160] =	vst.add.f32.msk $0xffff, v12  }
0xed: {  	[tilespmem:s25+$0x170] =	vst.add.f32.msk $0xffff, v15  }
0xee: {  	[tilespmem:s24+$0x140] =	vst.add.f32.msk $0xffff, v13  }
0xef: {  	[tilespmem:s24+$0x150] =	vst.add.f32.msk $0xffff, v11  }
0xf0: {  	[tilespmem:s24+$0x160] =	vst.add.f32.msk $0xffff, v9  }
0xf1: {  	[tilespmem:s24+$0x170] =	vst.add.f32.msk $0xffff, v7  }
0xf2: {  	[tilespmem:s22+$0x100] =	vst.add.f32.msk $0xffff, v6  }
0xf3: {  	[tilespmem:s22+$0x110] =	vst.add.f32.msk $0xffff, v5;
	s20 =	sadd.s32 $0x1, s20  }
0xf4: {  	[tilespmem:s22+$0x120] =	vst.add.f32.msk $0xffff, v4;
	p0 =	sne.s32 s20, s9  }
.Ltmp1:
0xf5: {  	[tilespmem:s22+$0x130] =	vst.add.f32.msk $0xffff, v3;
	(pc) =	sbr.rel @p0 .LBB2_1-.Ltmp1, $4  }
0xf6: {  	[hbm4b:s8+s2] =	stream.linear.scatter [tilespmem:s12], [sflag:$0x3], $0xC000, $0x38;
	[tilespmem:$0x18100] =	vst v63  }
0xf7: {  	_ =	swait.ge [sflag:s10], $0xC000  }
0xf8: {  	[sflag:s10] =	ssyncset.done $0x0  }
0xf9: {  	[sflag:s10] =	ssyncadd.s32 $0xFFFF4000  }
0xfa: {  	_ =	sfence.sel $0x180000  }
0xfb: {  	[bflag:$0x0] =	sbarrier.arrive $0xFFFF  }
0xfc: {  	_ =	strace $0x9000004A  }
0xfd: {  	s0 =	stileid.u32;
	[bflag:$0x2] =	sbarrier.arrive $0xFFFF  }
0xfe: {  	p0 =	sne.s32 s0, $0x0;
	s0 =	rddreg [dreg:$0x2]  }
0xff: {  	s0 =	sadd.s32 @!p0 $0x100000, s0  }
0x100: {  	[sflag:s0] =	ssyncadd.tile.s32 @!p0 $0x1;
	_ =	shalt  }
.Lfunc_end2:
_tile_overlayer_lowered:
.L_overlay_start_2:
0x101: {  	(tag) =	ssettag $0x2  }
0x102: {  	s0 =	rddreg [dreg:$0x0];
	s2 =	stileid.u32  }
0x103: {  	s1 =	rddreg [dreg:$0x1];
	p0 =	sne.s32 s2, $0x0  }
0x104: {  	s3 =	rddreg [dreg:$0x2];
	[bflag:$0x3] =	sbarrier.arrive $0xFFFF;
	s2 =	simm.s32 @!p0 $0x1C03  }
0x105: {  	[timem:s3], [sflag:s2] =	dma.local @!p0 [hbm:s0], s1  }
0x106: {  	s0 =	simm.s32 @!p0 $0x3  }
0x107: {  	_ =	swait.ge @!p0 [sflag:s0], s1  }
0x108: {  	s1 =	ssub.s32 @!p0 $0x0, s1;
	[sflag:s0] =	ssyncset.done @!p0 $0x0  }
0x109: {  	[sflag:s0] =	ssyncadd.s32 @!p0 s1  }
0x10a: {  	[bflag:$0x3] =	sbarrier.arrive $0xFFFF  }
0x10b: {  	_ =	shalt  }

</sc_bundles>
